<compile_context>
chip_gen: v7x
topology: tpu7x:2x2x1
jax: 0.10.2.dev20260603
libtpu: 0.0.44.dev20260713+nightly
codegen_flags: <defaults>
</compile_context>

<pallas_src>
import functools

import jax
import jax.numpy as jnp
from jax import lax
from jax.experimental import pallas as pl
from jax.experimental.pallas import tpu as pltpu
from jax.experimental.pallas import tpu_sc as plsc

N = 10000
E = 320000
D = 128
NH = N // 2
CR = 5120
CRT = CR // 16
ASLAB = 80
NC = 2
NS = 16
CH = 128
DEGR = 10240
DRT = DEGR // 16
DSLAB = 80

EPT_D = E // (NC * NS)
NCH_D = -(-EPT_D // CH)
PAD_D = NCH_D * CH
TAIL_D = PAD_D - EPT_D

EPT_A = E // NS
NCH_A = -(-EPT_A // CH)
PAD_A = NCH_A * CH
TAIL_A = PAD_A - EPT_A


def _deg_body(dst_hbm, out_hbm, flat_v, idx2_v, ones_v, buf_v, deg_sh):
    c = lax.axis_index("c")
    s = lax.axis_index("s")
    ebase = c * (E // NC) + s * EPT_D
    zvec = jnp.zeros((16,), jnp.float32)

    def zrow(i, _):
        def zk(k, __):
            buf_v[i, pl.ds(k * 16, 16)] = zvec
            return 0

        lax.fori_loop(0, D // 16, zk, 0)
        return 0

    lax.fori_loop(0, DSLAB, zrow, 0)

    def zslab(q, _):
        pltpu.sync_copy(buf_v, deg_sh.at[pl.ds(s * DRT + q * DSLAB, DSLAB)])
        return 0

    lax.fori_loop(0, DRT // DSLAB, zslab, 0)
    plsc.subcore_barrier()

    ovec = jnp.ones((16,), jnp.float32)

    def orow(i, _):
        def ok(k, __):
            ones_v[i, pl.ds(k * 16, 16)] = ovec
            return 0

        lax.fori_loop(0, D // 16, ok, 0)
        return 0

    lax.fori_loop(0, CH, orow, 0)

    nvec = jnp.full((16,), N, jnp.int32)

    def trow(i, _):
        flat_v[pl.ds(EPT_D + i * 16, 16)] = nvec
        return 0

    lax.fori_loop(0, TAIL_D // 16, trow, 0)
    pltpu.sync_copy(dst_hbm.at[pl.ds(ebase, EPT_D)], flat_v.at[pl.ds(0, EPT_D)])

    def reshape_row(j, _):
        def mv(k, __):
            idx2_v[j, pl.ds(k * 16, 16)] = flat_v[pl.ds(j * CH + k * 16, 16)]
            return 0

        lax.fori_loop(0, CH // 16, mv, 0)
        return 0

    lax.fori_loop(0, NCH_D, reshape_row, 0)

    def scat(j, _):
        pltpu.sync_copy(ones_v, deg_sh.at[idx2_v.at[j]], add=True)
        return 0

    lax.fori_loop(0, NCH_D, scat, 0)
    plsc.subcore_barrier()

    def oslab(q, _):
        pltpu.sync_copy(deg_sh.at[pl.ds(s * DRT + q * DSLAB, DSLAB)], buf_v)
        pltpu.sync_copy(buf_v, out_hbm.at[c, pl.ds(s * DRT + q * DSLAB, DSLAB)])
        return 0

    lax.fori_loop(0, DRT // DSLAB, oslab, 0)


_deg_call = functools.partial(
    pl.kernel,
    out_type=jax.ShapeDtypeStruct((NC, DEGR, D), jnp.float32),
    mesh=plsc.VectorSubcoreMesh(core_axis_name="c", subcore_axis_name="s"),
    scratch_types=[
        pltpu.VMEM((PAD_D,), jnp.int32),
        pltpu.VMEM((NCH_D, CH), jnp.int32),
        pltpu.VMEM((CH, D), jnp.float32),
        pltpu.VMEM((DSLAB, D), jnp.float32),
        pltpu.VMEM_SHARED((DEGR, D), jnp.float32),
    ],
)(_deg_body)


def _agg_body(src_hbm, dst_hbm, xs_hbm, out_hbm,
              fsrc_v, fdst_v, idst2_v, rows_v, buf_v, s_sh):
    c = lax.axis_index("c")
    s = lax.axis_index("s")
    ebase = s * EPT_A
    zvec = jnp.zeros((16,), jnp.float32)

    def zrow(i, _):
        def zk(k, __):
            buf_v[i, pl.ds(k * 16, 16)] = zvec
            return 0

        lax.fori_loop(0, D // 16, zk, 0)
        return 0

    lax.fori_loop(0, ASLAB, zrow, 0)

    def zslab(q, _):
        pltpu.sync_copy(buf_v, s_sh.at[pl.ds(s * CRT + q * ASLAB, ASLAB)])
        return 0

    lax.fori_loop(0, CRT // ASLAB, zslab, 0)
    plsc.subcore_barrier()

    zidx = jnp.zeros((16,), jnp.int32)
    dvec = jnp.full((16,), NH, jnp.int32)

    def trow(i, _):
        fsrc_v[pl.ds(EPT_A + i * 16, 16)] = zidx
        fdst_v[pl.ds(EPT_A + i * 16, 16)] = dvec + (c * NH)
        return 0

    lax.fori_loop(0, TAIL_A // 16, trow, 0)
    pltpu.sync_copy(src_hbm.at[pl.ds(ebase, EPT_A)], fsrc_v.at[pl.ds(0, EPT_A)])
    pltpu.sync_copy(dst_hbm.at[pl.ds(ebase, EPT_A)], fdst_v.at[pl.ds(0, EPT_A)])

    base = jnp.full((16,), 1, jnp.int32) * (c * NH)
    dump = jnp.full((16,), NH, jnp.int32)
    m63 = jnp.full((16,), 63, jnp.int32)

    def reshape_row(j, _):
        def mv(k, __):
            dv = fdst_v[pl.ds(j * CH + k * 16, 16)]
            lo = dv - base
            ok = (lo >= 0) & (lo < NH)
            idst2_v[j, pl.ds(k * 16, 16)] = jnp.where(ok, lo, dump + (dv & m63))
            return 0

        lax.fori_loop(0, CH // 16, mv, 0)
        return 0

    lax.fori_loop(0, NCH_A, reshape_row, 0)

    def chunk(j, _):
        pltpu.sync_copy(xs_hbm.at[fsrc_v.at[pl.ds(j * CH, CH)]], rows_v)
        pltpu.sync_copy(rows_v, s_sh.at[idst2_v.at[j]], add=True)
        return 0

    lax.fori_loop(0, NCH_A, chunk, 0)
    plsc.subcore_barrier()

    def oslab(q, _):
        pltpu.sync_copy(s_sh.at[pl.ds(s * CRT + q * ASLAB, ASLAB)], buf_v)
        pltpu.sync_copy(buf_v, out_hbm.at[c, pl.ds(s * CRT + q * ASLAB, ASLAB)])
        return 0

    lax.fori_loop(0, CRT // ASLAB, oslab, 0)


_agg_call = functools.partial(
    pl.kernel,
    out_type=jax.ShapeDtypeStruct((NC, CR, D), jnp.float32),
    mesh=plsc.VectorSubcoreMesh(core_axis_name="c", subcore_axis_name="s"),
    scratch_types=[
        pltpu.VMEM((PAD_A,), jnp.int32),
        pltpu.VMEM((PAD_A,), jnp.int32),
        pltpu.VMEM((NCH_A, CH), jnp.int32),
        pltpu.VMEM((CH, D), jnp.float32),
        pltpu.VMEM((ASLAB, D), jnp.float32),
        pltpu.VMEM_SHARED((CR, D), jnp.float32),
    ],
)(_agg_body)

_RB = 1000


def _scale_body(deg_ref, x_ref, xs_ref):
    d = deg_ref[:, 0:1] + deg_ref[:, 1:2] + 1.0
    xs_ref[:, :] = x_ref[:, :] * lax.rsqrt(d)


_scale_call = pl.pallas_call(
    _scale_body,
    grid=(N // _RB,),
    in_specs=[
        pl.BlockSpec((_RB, NC), lambda i: (i, 0)),
        pl.BlockSpec((_RB, D), lambda i: (i, 0)),
    ],
    out_specs=pl.BlockSpec((_RB, D), lambda i: (i, 0)),
    out_shape=jax.ShapeDtypeStruct((N, D), jnp.float32),
)


def _mm_body(s_ref, xs_ref, deg_ref, wmu_ref, bmu_ref, wls_ref, bls_ref,
             mu_ref, ls_ref):
    d = deg_ref[:, 0:1] + deg_ref[:, 1:2] + 1.0
    agg = (s_ref[0] + xs_ref[:, :]) * lax.rsqrt(d)
    mu_ref[:, :] = (
        jnp.dot(agg, wmu_ref[:, :], preferred_element_type=jnp.float32)
        + bmu_ref[:, :]
    )
    ls_ref[:, :] = (
        jnp.dot(agg, wls_ref[:, :], preferred_element_type=jnp.float32)
        + bls_ref[:, :]
    )


_mm_call = pl.pallas_call(
    _mm_body,
    grid=(N // _RB,),
    in_specs=[
        pl.BlockSpec((1, _RB, D), lambda i: (i // 5, i % 5, 0)),
        pl.BlockSpec((_RB, D), lambda i: (i, 0)),
        pl.BlockSpec((_RB, NC), lambda i: (i, 0)),
        pl.BlockSpec((D, D), lambda i: (0, 0)),
        pl.BlockSpec((1, D), lambda i: (0, 0)),
        pl.BlockSpec((D, D), lambda i: (0, 0)),
        pl.BlockSpec((1, D), lambda i: (0, 0)),
    ],
    out_specs=[
        pl.BlockSpec((_RB, D), lambda i: (i, 0)),
        pl.BlockSpec((_RB, D), lambda i: (i, 0)),
    ],
    out_shape=[
        jax.ShapeDtypeStruct((N, D), jnp.float32),
        jax.ShapeDtypeStruct((N, D), jnp.float32),
    ],
)


def kernel(x, edge_index, W_mu, b_mu, W_logstd, b_logstd):
    ei = edge_index.astype(jnp.int32)
    src = ei[0]
    dst = ei[1]
    deg2 = _deg_call(dst)
    dega = deg2[:, :N, 0].transpose(1, 0)
    xs = _scale_call(dega, x)
    s2 = _agg_call(src, dst, xs)
    mu, logstd = _mm_call(s2, xs, dega, W_mu, b_mu.reshape(1, D),
                          W_logstd, b_logstd.reshape(1, D))
    return (mu, logstd)

# --- scband reference (transcript-rebuilt; emitter-appended) ---
"""Pipeline reference for scband-variational-linear-encoder-6760278524377 (READ-ONLY COPY).

The authoritative reference and input builder live on the scoring server;
editing this copy changes nothing except your own understanding.
"""

import jax, jax.numpy as jnp
import numpy as np


def gcn_conv(x, edge_index, W, b):
    # Faithful GCNConv: add self-loops, symmetric normalization D^-1/2 (A+I) D^-1/2,
    # linear transform, message = x_j * norm, scatter-add to dst, add bias.
    N = x.shape[0]
    src = edge_index[0]
    dst = edge_index[1]
    loop = jnp.arange(N, dtype=src.dtype)
    src = jnp.concatenate([src, loop])
    dst = jnp.concatenate([dst, loop])
    deg = jnp.zeros((N,), dtype=x.dtype).at[dst].add(jnp.ones_like(dst, dtype=x.dtype))
    dinv = jnp.where(deg > 0, jax.lax.rsqrt(jnp.maximum(deg, 1e-12)), 0.0)
    norm = dinv[src] * dinv[dst]
    h = x @ W
    msgs = h[src] * norm[:, None]
    out = jax.ops.segment_sum(msgs, dst, num_segments=N)
    return out + b


def setup_inputs(seed: int = 0) -> dict:
    key = jax.random.key(seed)
    k1, k2, k3, k4 = jax.random.split(key, 4)
    N = 10000
    E = 320000
    d_in = 128
    d_out = 128
    x = jax.random.normal(k1, (N, d_in), dtype=jnp.float32)
    edge_index = jax.random.randint(k2, (2, E), 0, N)
    scale = 1.0 / np.sqrt(d_in)
    W_mu = jax.random.normal(k3, (d_in, d_out), dtype=jnp.float32) * scale
    b_mu = jnp.zeros((d_out,), dtype=jnp.float32)
    W_logstd = jax.random.normal(k4, (d_in, d_out), dtype=jnp.float32) * scale
    b_logstd = jnp.zeros((d_out,), dtype=jnp.float32)
    return {
        "x": x,
        "edge_index": edge_index,
        "W_mu": W_mu,
        "b_mu": b_mu,
        "W_logstd": W_logstd,
        "b_logstd": b_logstd,
    }


def reference(x, edge_index, W_mu, b_mu, W_logstd, b_logstd):
    mu = gcn_conv(x, edge_index, W_mu, b_mu)
    logstd = gcn_conv(x, edge_index, W_logstd, b_logstd)
    return (mu, logstd)

if __name__ == "__main__":
    import jax
    _d = setup_inputs()
    print(jax.jit(kernel)(*tuple(_d.values())))

</pallas_src>

<mosaic_0001>
#map = affine_map<(d0, d1) -> (0)>
#map1 = affine_map<(d0, d1) -> (0, 0, 0)>
module attributes {stable_mosaic.version = 14 : i64} {
  func.func @_deg_body(%arg0: i32, %arg1: i32, %arg2: memref<320000xi32, #tpu.memory_space<hbm>>, %arg3: memref<2x10240x128xf32, #tpu.memory_space<hbm>>, %arg4: memref<10112xi32, #tpu.memory_space<vmem>>, %arg5: memref<79x128xi32, #tpu.memory_space<vmem>>, %arg6: memref<128x128xf32, #tpu.memory_space<vmem>>, %arg7: memref<80x128xf32, #tpu.memory_space<vmem>>, %arg8: memref<10240x128xf32, #tpu.memory_space<vmem_shared>>) attributes {dimension_semantics = [#tpu.dimension_semantics<core_parallel>, #tpu.dimension_semantics<subcore_parallel>], iteration_bounds = array<i64: 2, 16>, scalar_prefetch = 0 : i64, scratch_operands = 5 : i64, tpu.core_type = #tpu.core_type<sc_vector_subcore>, window_params = [{transform_indices = #map}, {transform_indices = #map1}]} {
    %mul3A = arith.constant 160000 : i32
    %mul3A_0 = arith.muli %arg0, %mul3A : i32
    %mul3A_1 = arith.constant 10000 : i32
    %mul3A_2 = arith.muli %arg1, %mul3A_1 : i32
    %add3A = arith.addi %mul3A_0, %mul3A_2 : i32
    %broadcast_in_dim3A = arith.constant 0.000000e+00 : f32
    %broadcast_in_dim3A_3 = vector.broadcast %broadcast_in_dim3A : f32 to vector<16xf32>
    %scan3A = arith.constant 0 : i32
    %scan3A_4 = arith.constant 0 : i32
    %scan3A_5 = arith.constant 80 : i32
    %scan3A_6 = arith.addi %scan3A_4, %scan3A_5 : i32
    %scan3A_7 = arith.constant 1 : i32
    %scan3A_8 = scf.for %scan3A_57 = %scan3A_4 to %scan3A_6 step %scan3A_7 iter_args(%scan3A_58 = %scan3A) -> (i32)  : i32 {
      %scan3A_59 = arith.constant 0 : i32
      %scan3A_60 = arith.constant 0 : i32
      %scan3A_61 = arith.constant 8 : i32
      %scan3A_62 = arith.addi %scan3A_60, %scan3A_61 : i32
      %scan3A_63 = arith.constant 1 : i32
      %scan3A_64 = scf.for %scan3A_67 = %scan3A_60 to %scan3A_62 step %scan3A_63 iter_args(%scan3A_68 = %scan3A_59) -> (i32)  : i32 {
        %mul3A_69 = arith.constant 16 : i32
        %mul3A_70 = arith.muli %scan3A_67, %mul3A_69 : i32
        %swap3A = arith.index_cast %scan3A_57 : i32 to index
        %swap3A_71 = arith.index_cast %mul3A_70 : i32 to index
        %swap3A_72 = tpu.vector_load %arg7[%swap3A, %swap3A_71] {strides = array<i32>} : memref<80x128xf32, #tpu.memory_space<vmem>>, vector<1x16xf32>,
        %swap3A_73 = vector.shape_cast %swap3A_72 : vector<1x16xf32> to vector<16xf32>
        %swap3A_74 = vector.shape_cast %broadcast_in_dim3A_3 : vector<16xf32> to vector<1x16xf32>
        tpu.vector_store %arg7[%swap3A, %swap3A_71], %swap3A_74 {strides = array<i32>} : memref<80x128xf32, #tpu.memory_space<vmem>>, vector<1x16xf32>,
        %scan3A_75 = arith.constant 0 : i32
        scf.yield %scan3A_75 : i32
      }
      %scan3A_65 = arith.constant 8 : i32
      %scan3A_66 = arith.constant 0 : i32
      scf.yield %scan3A_66 : i32
    }
    %scan3A_9 = arith.constant 80 : i32
    %scan3A_10 = arith.constant 0 : i32
    %scan3A_11 = arith.constant 0 : i32
    %scan3A_12 = arith.constant 8 : i32
    %scan3A_13 = arith.addi %scan3A_11, %scan3A_12 : i32
    %scan3A_14 = arith.constant 1 : i32
    %scan3A_15 = scf.for %scan3A_57 = %scan3A_11 to %scan3A_13 step %scan3A_14 iter_args(%scan3A_58 = %scan3A_10) -> (i32)  : i32 {
      %mul3A_59 = arith.constant 640 : i32
      %mul3A_60 = arith.muli %arg1, %mul3A_59 : i32
      %mul3A_61 = arith.constant 80 : i32
      %mul3A_62 = arith.muli %scan3A_57, %mul3A_61 : i32
      %add3A_63 = arith.addi %mul3A_60, %mul3A_62 : i32
      "tpu.region"() ({
        %run_scoped3A = tpu.sem_alloc : memref<!tpu.dma_semaphore, #tpu.memory_space<semaphore_mem>>
        %dma_start3A = arith.constant 0 : i32
        %dma_start3A_65 = tpu.memref_slice %arg8[%add3A_63, %dma_start3A] : memref<10240x128xf32, #tpu.memory_space<vmem_shared>> -> memref<80x128xf32, #tpu.memory_space<vmem_shared>>
        %dma_start3A_66 = arith.constant 0 : i32
        %dma_start3A_67 = tpu.memref_slice %arg8[%add3A_63, %dma_start3A_66] : memref<10240x128xf32, #tpu.memory_space<vmem_shared>> -> memref<80x128xf32, #tpu.memory_space<vmem_shared>>
        tpu.enqueue_dma source(%arg7 : memref<80x128xf32, #tpu.memory_space<vmem>>) target(%dma_start3A_67 : memref<80x128xf32, #tpu.memory_space<vmem_shared>>) target_semaphore(%run_scoped3A : memref<!tpu.dma_semaphore, #tpu.memory_space<semaphore_mem>>)
        %dma_wait3A = arith.constant 0 : i32
        %dma_wait3A_68 = tpu.memref_slice %arg8[%add3A_63, %dma_wait3A] : memref<10240x128xf32, #tpu.memory_space<vmem_shared>> -> memref<80x128xf32, #tpu.memory_space<vmem_shared>>
        %dma_wait3A_69 = arith.constant 0 : i32
        %dma_wait3A_70 = tpu.memref_slice %arg8[%add3A_63, %dma_wait3A_69] : memref<10240x128xf32, #tpu.memory_space<vmem_shared>> -> memref<80x128xf32, #tpu.memory_space<vmem_shared>>
        tpu.wait_dma2 semaphore(%run_scoped3A : memref<!tpu.dma_semaphore, #tpu.memory_space<semaphore_mem>>) src(%arg7 : memref<80x128xf32, #tpu.memory_space<vmem>>) dst(%dma_wait3A_70 : memref<80x128xf32, #tpu.memory_space<vmem_shared>>)
        tpu.yield
      }) : () -> ()
      %scan3A_64 = arith.constant 0 : i32
      scf.yield %scan3A_64 : i32
    }
    %scan3A_16 = arith.constant 8 : i32
    %barrier3A = arith.constant 0 : index
    tpu.barrier barrier_id(%barrier3A)
    %broadcast_in_dim3A_17 = arith.constant 1.000000e+00 : f32
    %broadcast_in_dim3A_18 = vector.broadcast %broadcast_in_dim3A_17 : f32 to vector<16xf32>
    %scan3A_19 = arith.constant 0 : i32
    %scan3A_20 = arith.constant 0 : i32
    %scan3A_21 = arith.constant 128 : i32
    %scan3A_22 = arith.addi %scan3A_20, %scan3A_21 : i32
    %scan3A_23 = arith.constant 1 : i32
    %scan3A_24 = scf.for %scan3A_57 = %scan3A_20 to %scan3A_22 step %scan3A_23 iter_args(%scan3A_58 = %scan3A_19) -> (i32)  : i32 {
      %scan3A_59 = arith.constant 0 : i32
      %scan3A_60 = arith.constant 0 : i32
      %scan3A_61 = arith.constant 8 : i32
      %scan3A_62 = arith.addi %scan3A_60, %scan3A_61 : i32
      %scan3A_63 = arith.constant 1 : i32
      %scan3A_64 = scf.for %scan3A_67 = %scan3A_60 to %scan3A_62 step %scan3A_63 iter_args(%scan3A_68 = %scan3A_59) -> (i32)  : i32 {
        %mul3A_69 = arith.constant 16 : i32
        %mul3A_70 = arith.muli %scan3A_67, %mul3A_69 : i32
        %swap3A = arith.index_cast %scan3A_57 : i32 to index
        %swap3A_71 = arith.index_cast %mul3A_70 : i32 to index
        %swap3A_72 = tpu.vector_load %arg6[%swap3A, %swap3A_71] {strides = array<i32>} : memref<128x128xf32, #tpu.memory_space<vmem>>, vector<1x16xf32>,
        %swap3A_73 = vector.shape_cast %swap3A_72 : vector<1x16xf32> to vector<16xf32>
        %swap3A_74 = vector.shape_cast %broadcast_in_dim3A_18 : vector<16xf32> to vector<1x16xf32>
        tpu.vector_store %arg6[%swap3A, %swap3A_71], %swap3A_74 {strides = array<i32>} : memref<128x128xf32, #tpu.memory_space<vmem>>, vector<1x16xf32>,
        %scan3A_75 = arith.constant 0 : i32
        scf.yield %scan3A_75 : i32
      }
      %scan3A_65 = arith.constant 8 : i32
      %scan3A_66 = arith.constant 0 : i32
      scf.yield %scan3A_66 : i32
    }
    %scan3A_25 = arith.constant 128 : i32
    %broadcast_in_dim3A_26 = arith.constant 10000 : i32
    %broadcast_in_dim3A_27 = vector.broadcast %broadcast_in_dim3A_26 : i32 to vector<16xi32>
    %scan3A_28 = arith.constant 0 : i32
    %scan3A_29 = arith.constant 0 : i32
    %scan3A_30 = arith.constant 7 : i32
    %scan3A_31 = arith.addi %scan3A_29, %scan3A_30 : i32
    %scan3A_32 = arith.constant 1 : i32
    %scan3A_33 = scf.for %scan3A_57 = %scan3A_29 to %scan3A_31 step %scan3A_32 iter_args(%scan3A_58 = %scan3A_28) -> (i32)  : i32 {
      %mul3A_59 = arith.constant 16 : i32
      %mul3A_60 = arith.muli %scan3A_57, %mul3A_59 : i32
      %add3A_61 = arith.constant 10000 : i32
      %add3A_62 = arith.addi %add3A_61, %mul3A_60 : i32
      %swap3A = arith.index_cast %add3A_62 : i32 to index
      %swap3A_63 = tpu.vector_load %arg4[%swap3A] {strides = array<i32>} : memref<10112xi32, #tpu.memory_space<vmem>>, vector<16xi32>,
      %swap3A_64 = vector.shape_cast %swap3A_63 : vector<16xi32> to vector<16xi32>
      %swap3A_65 = vector.shape_cast %broadcast_in_dim3A_27 : vector<16xi32> to vector<16xi32>
      tpu.vector_store %arg4[%swap3A], %swap3A_65 {strides = array<i32>} : memref<10112xi32, #tpu.memory_space<vmem>>, vector<16xi32>,
      %scan3A_66 = arith.constant 0 : i32
      scf.yield %scan3A_66 : i32
    }
    %scan3A_34 = arith.constant 7 : i32
    "tpu.region"() ({
      %run_scoped3A = tpu.sem_alloc : memref<!tpu.dma_semaphore, #tpu.memory_space<semaphore_mem>>
      %dma_start3A = arith.constant 0 : i32
      %dma_start3A_57 = tpu.memref_slice %arg4[%dma_start3A] : memref<10112xi32, #tpu.memory_space<vmem>> -> memref<10000xi32, #tpu.memory_space<vmem>>
      %dma_start3A_58 = tpu.memref_slice %arg2[%add3A] : memref<320000xi32, #tpu.memory_space<hbm>> -> memref<10000xi32, #tpu.memory_space<hbm>>
      %dma_start3A_59 = arith.constant 0 : i32
      %dma_start3A_60 = tpu.memref_slice %arg4[%dma_start3A_59] : memref<10112xi32, #tpu.memory_space<vmem>> -> memref<10000xi32, #tpu.memory_space<vmem>>
      %dma_start3A_61 = tpu.memref_slice %arg2[%add3A] : memref<320000xi32, #tpu.memory_space<hbm>> -> memref<10000xi32, #tpu.memory_space<hbm>>
      tpu.enqueue_dma source(%dma_start3A_61 : memref<10000xi32, #tpu.memory_space<hbm>>) target(%dma_start3A_60 : memref<10000xi32, #tpu.memory_space<vmem>>) target_semaphore(%run_scoped3A : memref<!tpu.dma_semaphore, #tpu.memory_space<semaphore_mem>>)
      %dma_wait3A = arith.constant 0 : i32
      %dma_wait3A_62 = tpu.memref_slice %arg4[%dma_wait3A] : memref<10112xi32, #tpu.memory_space<vmem>> -> memref<10000xi32, #tpu.memory_space<vmem>>
      %dma_wait3A_63 = tpu.memref_slice %arg2[%add3A] : memref<320000xi32, #tpu.memory_space<hbm>> -> memref<10000xi32, #tpu.memory_space<hbm>>
      %dma_wait3A_64 = arith.constant 0 : i32
      %dma_wait3A_65 = tpu.memref_slice %arg4[%dma_wait3A_64] : memref<10112xi32, #tpu.memory_space<vmem>> -> memref<10000xi32, #tpu.memory_space<vmem>>
      %dma_wait3A_66 = tpu.memref_slice %arg2[%add3A] : memref<320000xi32, #tpu.memory_space<hbm>> -> memref<10000xi32, #tpu.memory_space<hbm>>
      tpu.wait_dma2 semaphore(%run_scoped3A : memref<!tpu.dma_semaphore, #tpu.memory_space<semaphore_mem>>) src(%dma_wait3A_66 : memref<10000xi32, #tpu.memory_space<hbm>>) dst(%dma_wait3A_65 : memref<10000xi32, #tpu.memory_space<vmem>>)
      tpu.yield
    }) : () -> ()
    %scan3A_35 = arith.constant 0 : i32
    %scan3A_36 = arith.constant 0 : i32
    %scan3A_37 = arith.constant 79 : i32
    %scan3A_38 = arith.addi %scan3A_36, %scan3A_37 : i32
    %scan3A_39 = arith.constant 1 : i32
    %scan3A_40 = scf.for %scan3A_57 = %scan3A_36 to %scan3A_38 step %scan3A_39 iter_args(%scan3A_58 = %scan3A_35) -> (i32)  : i32 {
      %scan3A_59 = arith.constant 0 : i32
      %scan3A_60 = arith.constant 0 : i32
      %scan3A_61 = arith.constant 8 : i32
      %scan3A_62 = arith.addi %scan3A_60, %scan3A_61 : i32
      %scan3A_63 = arith.constant 1 : i32
      %scan3A_64 = scf.for %scan3A_67 = %scan3A_60 to %scan3A_62 step %scan3A_63 iter_args(%scan3A_68 = %scan3A_59) -> (i32)  : i32 {
        %mul3A_69 = arith.constant 128 : i32
        %mul3A_70 = arith.muli %scan3A_57, %mul3A_69 : i32
        %mul3A_71 = arith.constant 16 : i32
        %mul3A_72 = arith.muli %scan3A_67, %mul3A_71 : i32
        %add3A_73 = arith.addi %mul3A_70, %mul3A_72 : i32
        %get3A = arith.index_cast %add3A_73 : i32 to index
        %get3A_74 = tpu.vector_load %arg4[%get3A] {strides = array<i32>} : memref<10112xi32, #tpu.memory_space<vmem>>, vector<16xi32>,
        %get3A_75 = vector.shape_cast %get3A_74 : vector<16xi32> to vector<16xi32>
        %mul3A_76 = arith.constant 16 : i32
        %mul3A_77 = arith.muli %scan3A_67, %mul3A_76 : i32
        %swap3A = arith.index_cast %scan3A_57 : i32 to index
        %swap3A_78 = arith.index_cast %mul3A_77 : i32 to index
        %swap3A_79 = tpu.vector_load %arg5[%swap3A, %swap3A_78] {strides = array<i32>} : memref<79x128xi32, #tpu.memory_space<vmem>>, vector<1x16xi32>,
        %swap3A_80 = vector.shape_cast %swap3A_79 : vector<1x16xi32> to vector<16xi32>
        %swap3A_81 = vector.shape_cast %get3A_75 : vector<16xi32> to vector<1x16xi32>
        tpu.vector_store %arg5[%swap3A, %swap3A_78], %swap3A_81 {strides = array<i32>} : memref<79x128xi32, #tpu.memory_space<vmem>>, vector<1x16xi32>,
        %scan3A_82 = arith.constant 0 : i32
        scf.yield %scan3A_82 : i32
      }
      %scan3A_65 = arith.constant 8 : i32
      %scan3A_66 = arith.constant 0 : i32
      scf.yield %scan3A_66 : i32
    }
    %scan3A_41 = arith.constant 79 : i32
    %scan3A_42 = arith.constant 0 : i32
    %scan3A_43 = arith.constant 0 : i32
    %scan3A_44 = arith.constant 79 : i32
    %scan3A_45 = arith.addi %scan3A_43, %scan3A_44 : i32
    %scan3A_46 = arith.constant 1 : i32
    %scan3A_47 = scf.for %scan3A_57 = %scan3A_43 to %scan3A_45 step %scan3A_46 iter_args(%scan3A_58 = %scan3A_42) -> (i32)  : i32 {
      "tpu.region"() ({
        %run_scoped3A = tpu.sem_alloc : memref<!tpu.dma_semaphore, #tpu.memory_space<semaphore_mem>>
        %dma_start3A = arith.constant 0 : i32
        %dma_start3A_60 = tpu.memref_slice %arg5[%scan3A_57, %dma_start3A] : memref<79x128xi32, #tpu.memory_space<vmem>> -> memref<1x128xi32, #tpu.memory_space<vmem>>
        %dma_start3A_61 = tpu.memref_squeeze %dma_start3A_60 : memref<1x128xi32, #tpu.memory_space<vmem>> -> memref<128xi32, #tpu.memory_space<vmem>>
        %dma_start3A_62 = arith.constant 0 : i32
        %dma_start3A_63 = arith.constant 0 : i32
        %dma_start3A_64 = tpu.memref_slice %arg8[%dma_start3A_62, %dma_start3A_63] : memref<10240x128xf32, #tpu.memory_space<vmem_shared>> -> memref<10240x128xf32, #tpu.memory_space<vmem_shared>>
        tpu.enqueue_indirect_dma source(%arg6 : memref<128x128xf32, #tpu.memory_space<vmem>>) target(%dma_start3A_64 : memref<10240x128xf32, #tpu.memory_space<vmem_shared>>) offsets(%dma_start3A_61 : memref<128xi32, #tpu.memory_space<vmem>>) semaphore(%run_scoped3A : memref<!tpu.dma_semaphore, #tpu.memory_space<semaphore_mem>>) {add = true}
        %dma_wait3A = arith.constant 0 : i32
        %dma_wait3A_65 = tpu.memref_slice %arg5[%scan3A_57, %dma_wait3A] : memref<79x128xi32, #tpu.memory_space<vmem>> -> memref<1x128xi32, #tpu.memory_space<vmem>>
        %dma_wait3A_66 = tpu.memref_squeeze %dma_wait3A_65 : memref<1x128xi32, #tpu.memory_space<vmem>> -> memref<128xi32, #tpu.memory_space<vmem>>
        %dma_wait3A_67 = arith.constant 0 : i32
        %dma_wait3A_68 = arith.constant 0 : i32
        %dma_wait3A_69 = tpu.memref_slice %arg8[%dma_wait3A_67, %dma_wait3A_68] : memref<10240x128xf32, #tpu.memory_space<vmem_shared>> -> memref<10240x128xf32, #tpu.memory_space<vmem_shared>>
        tpu.wait_indirect_dma semaphore(%run_scoped3A : memref<!tpu.dma_semaphore, #tpu.memory_space<semaphore_mem>>) src(%arg6 : memref<128x128xf32, #tpu.memory_space<vmem>>) dst(%dma_wait3A_69 : memref<10240x128xf32, #tpu.memory_space<vmem_shared>>)
        tpu.yield
      }) : () -> ()
      %scan3A_59 = arith.constant 0 : i32
      scf.yield %scan3A_59 : i32
    }
    %scan3A_48 = arith.constant 79 : i32
    %barrier3A_49 = arith.constant 0 : index
    tpu.barrier barrier_id(%barrier3A_49)
    %scan3A_50 = arith.constant 0 : i32
    %scan3A_51 = arith.constant 0 : i32
    %scan3A_52 = arith.constant 8 : i32
    %scan3A_53 = arith.addi %scan3A_51, %scan3A_52 : i32
    %scan3A_54 = arith.constant 1 : i32
    %scan3A_55 = scf.for %scan3A_57 = %scan3A_51 to %scan3A_53 step %scan3A_54 iter_args(%scan3A_58 = %scan3A_50) -> (i32)  : i32 {
      %mul3A_59 = arith.constant 640 : i32
      %mul3A_60 = arith.muli %arg1, %mul3A_59 : i32
      %mul3A_61 = arith.constant 80 : i32
      %mul3A_62 = arith.muli %scan3A_57, %mul3A_61 : i32
      %add3A_63 = arith.addi %mul3A_60, %mul3A_62 : i32
      "tpu.region"() ({
        %run_scoped3A = tpu.sem_alloc : memref<!tpu.dma_semaphore, #tpu.memory_space<semaphore_mem>>
        %dma_start3A = arith.constant 0 : i32
        %dma_start3A_70 = tpu.memref_slice %arg8[%add3A_63, %dma_start3A] : memref<10240x128xf32, #tpu.memory_space<vmem_shared>> -> memref<80x128xf32, #tpu.memory_space<vmem_shared>>
        %dma_start3A_71 = arith.constant 0 : i32
        %dma_start3A_72 = tpu.memref_slice %arg8[%add3A_63, %dma_start3A_71] : memref<10240x128xf32, #tpu.memory_space<vmem_shared>> -> memref<80x128xf32, #tpu.memory_space<vmem_shared>>
        tpu.enqueue_dma source(%dma_start3A_72 : memref<80x128xf32, #tpu.memory_space<vmem_shared>>) target(%arg7 : memref<80x128xf32, #tpu.memory_space<vmem>>) target_semaphore(%run_scoped3A : memref<!tpu.dma_semaphore, #tpu.memory_space<semaphore_mem>>)
        %dma_wait3A = arith.constant 0 : i32
        %dma_wait3A_73 = tpu.memref_slice %arg8[%add3A_63, %dma_wait3A] : memref<10240x128xf32, #tpu.memory_space<vmem_shared>> -> memref<80x128xf32, #tpu.memory_space<vmem_shared>>
        %dma_wait3A_74 = arith.constant 0 : i32
        %dma_wait3A_75 = tpu.memref_slice %arg8[%add3A_63, %dma_wait3A_74] : memref<10240x128xf32, #tpu.memory_space<vmem_shared>> -> memref<80x128xf32, #tpu.memory_space<vmem_shared>>
        tpu.wait_dma2 semaphore(%run_scoped3A : memref<!tpu.dma_semaphore, #tpu.memory_space<semaphore_mem>>) src(%dma_wait3A_75 : memref<80x128xf32, #tpu.memory_space<vmem_shared>>) dst(%arg7 : memref<80x128xf32, #tpu.memory_space<vmem>>)
        tpu.yield
      }) : () -> ()
      %mul3A_64 = arith.constant 640 : i32
      %mul3A_65 = arith.muli %arg1, %mul3A_64 : i32
      %mul3A_66 = arith.constant 80 : i32
      %mul3A_67 = arith.muli %scan3A_57, %mul3A_66 : i32
      %add3A_68 = arith.addi %mul3A_65, %mul3A_67 : i32
      "tpu.region"() ({
        %run_scoped3A = tpu.sem_alloc : memref<!tpu.dma_semaphore, #tpu.memory_space<semaphore_mem>>
        %dma_start3A = arith.constant 0 : i32
        %dma_start3A_70 = tpu.memref_slice %arg3[%arg0, %add3A_68, %dma_start3A] : memref<2x10240x128xf32, #tpu.memory_space<hbm>> -> memref<1x80x128xf32, #tpu.memory_space<hbm>>
        %dma_start3A_71 = tpu.memref_squeeze %dma_start3A_70 : memref<1x80x128xf32, #tpu.memory_space<hbm>> -> memref<80x128xf32, #tpu.memory_space<hbm>>
        %dma_start3A_72 = arith.constant 0 : i32
        %dma_start3A_73 = tpu.memref_slice %arg3[%arg0, %add3A_68, %dma_start3A_72] : memref<2x10240x128xf32, #tpu.memory_space<hbm>> -> memref<1x80x128xf32, #tpu.memory_space<hbm>>
        %dma_start3A_74 = tpu.memref_squeeze %dma_start3A_73 : memref<1x80x128xf32, #tpu.memory_space<hbm>> -> memref<80x128xf32, #tpu.memory_space<hbm>>
        tpu.enqueue_dma source(%arg7 : memref<80x128xf32, #tpu.memory_space<vmem>>) target(%dma_start3A_74 : memref<80x128xf32, #tpu.memory_space<hbm>>) target_semaphore(%run_scoped3A : memref<!tpu.dma_semaphore, #tpu.memory_space<semaphore_mem>>)
        %dma_wait3A = arith.constant 0 : i32
        %dma_wait3A_75 = tpu.memref_slice %arg3[%arg0, %add3A_68, %dma_wait3A] : memref<2x10240x128xf32, #tpu.memory_space<hbm>> -> memref<1x80x128xf32, #tpu.memory_space<hbm>>
        %dma_wait3A_76 = tpu.memref_squeeze %dma_wait3A_75 : memref<1x80x128xf32, #tpu.memory_space<hbm>> -> memref<80x128xf32, #tpu.memory_space<hbm>>
        %dma_wait3A_77 = arith.constant 0 : i32
        %dma_wait3A_78 = tpu.memref_slice %arg3[%arg0, %add3A_68, %dma_wait3A_77] : memref<2x10240x128xf32, #tpu.memory_space<hbm>> -> memref<1x80x128xf32, #tpu.memory_space<hbm>>
        %dma_wait3A_79 = tpu.memref_squeeze %dma_wait3A_78 : memref<1x80x128xf32, #tpu.memory_space<hbm>> -> memref<80x128xf32, #tpu.memory_space<hbm>>
        tpu.wait_dma2 semaphore(%run_scoped3A : memref<!tpu.dma_semaphore, #tpu.memory_space<semaphore_mem>>) src(%arg7 : memref<80x128xf32, #tpu.memory_space<vmem>>) dst(%dma_wait3A_79 : memref<80x128xf32, #tpu.memory_space<hbm>>)
        tpu.yield
      }) : () -> ()
      %scan3A_69 = arith.constant 0 : i32
      scf.yield %scan3A_69 : i32
    }
    %scan3A_56 = arith.constant 8 : i32
    return
  }
}

#map = affine_map<(d0, d1) -> (0)>
#map1 = affine_map<(d0, d1) -> (0, 0)>
#map2 = affine_map<(d0, d1) -> (0, 0, 0)>
module attributes {stable_mosaic.version = 14 : i64} {
  func.func @_agg_body(%arg0: i32, %arg1: i32, %arg2: memref<320000xi32, #tpu.memory_space<hbm>>, %arg3: memref<320000xi32, #tpu.memory_space<hbm>>, %arg4: memref<10000x128xf32, #tpu.memory_space<hbm>>, %arg5: memref<2x5120x128xf32, #tpu.memory_space<hbm>>, %arg6: memref<20096xi32, #tpu.memory_space<vmem>>, %arg7: memref<20096xi32, #tpu.memory_space<vmem>>, %arg8: memref<157x128xi32, #tpu.memory_space<vmem>>, %arg9: memref<128x128xf32, #tpu.memory_space<vmem>>, %arg10: memref<80x128xf32, #tpu.memory_space<vmem>>, %arg11: memref<5120x128xf32, #tpu.memory_space<vmem_shared>>) attributes {dimension_semantics = [#tpu.dimension_semantics<core_parallel>, #tpu.dimension_semantics<subcore_parallel>], iteration_bounds = array<i64: 2, 16>, scalar_prefetch = 0 : i64, scratch_operands = 6 : i64, tpu.core_type = #tpu.core_type<sc_vector_subcore>, window_params = [{transform_indices = #map}, {transform_indices = #map}, {transform_indices = #map1}, {transform_indices = #map2}]} {
    %mul3A = arith.constant 20000 : i32
    %mul3A_0 = arith.muli %arg1, %mul3A : i32
    %broadcast_in_dim3A = arith.constant 0.000000e+00 : f32
    %broadcast_in_dim3A_1 = vector.broadcast %broadcast_in_dim3A : f32 to vector<16xf32>
    %scan3A = arith.constant 0 : i32
    %scan3A_2 = arith.constant 0 : i32
    %scan3A_3 = arith.constant 80 : i32
    %scan3A_4 = arith.addi %scan3A_2, %scan3A_3 : i32
    %scan3A_5 = arith.constant 1 : i32
    %scan3A_6 = scf.for %scan3A_58 = %scan3A_2 to %scan3A_4 step %scan3A_5 iter_args(%scan3A_59 = %scan3A) -> (i32)  : i32 {
      %scan3A_60 = arith.constant 0 : i32
      %scan3A_61 = arith.constant 0 : i32
      %scan3A_62 = arith.constant 8 : i32
      %scan3A_63 = arith.addi %scan3A_61, %scan3A_62 : i32
      %scan3A_64 = arith.constant 1 : i32
      %scan3A_65 = scf.for %scan3A_68 = %scan3A_61 to %scan3A_63 step %scan3A_64 iter_args(%scan3A_69 = %scan3A_60) -> (i32)  : i32 {
        %mul3A_70 = arith.constant 16 : i32
        %mul3A_71 = arith.muli %scan3A_68, %mul3A_70 : i32
        %swap3A = arith.index_cast %scan3A_58 : i32 to index
        %swap3A_72 = arith.index_cast %mul3A_71 : i32 to index
        %swap3A_73 = tpu.vector_load %arg10[%swap3A, %swap3A_72] {strides = array<i32>} : memref<80x128xf32, #tpu.memory_space<vmem>>, vector<1x16xf32>,
        %swap3A_74 = vector.shape_cast %swap3A_73 : vector<1x16xf32> to vector<16xf32>
        %swap3A_75 = vector.shape_cast %broadcast_in_dim3A_1 : vector<16xf32> to vector<1x16xf32>
        tpu.vector_store %arg10[%swap3A, %swap3A_72], %swap3A_75 {strides = array<i32>} : memref<80x128xf32, #tpu.memory_space<vmem>>, vector<1x16xf32>,
        %scan3A_76 = arith.constant 0 : i32
        scf.yield %scan3A_76 : i32
      }
      %scan3A_66 = arith.constant 8 : i32
      %scan3A_67 = arith.constant 0 : i32
      scf.yield %scan3A_67 : i32
    }
    %scan3A_7 = arith.constant 80 : i32
    %scan3A_8 = arith.constant 0 : i32
    %scan3A_9 = arith.constant 0 : i32
    %scan3A_10 = arith.constant 4 : i32
    %scan3A_11 = arith.addi %scan3A_9, %scan3A_10 : i32
    %scan3A_12 = arith.constant 1 : i32
    %scan3A_13 = scf.for %scan3A_58 = %scan3A_9 to %scan3A_11 step %scan3A_12 iter_args(%scan3A_59 = %scan3A_8) -> (i32)  : i32 {
      %mul3A_60 = arith.constant 320 : i32
      %mul3A_61 = arith.muli %arg1, %mul3A_60 : i32
      %mul3A_62 = arith.constant 80 : i32
      %mul3A_63 = arith.muli %scan3A_58, %mul3A_62 : i32
      %add3A = arith.addi %mul3A_61, %mul3A_63 : i32
      "tpu.region"() ({
        %run_scoped3A = tpu.sem_alloc : memref<!tpu.dma_semaphore, #tpu.memory_space<semaphore_mem>>
        %dma_start3A = arith.constant 0 : i32
        %dma_start3A_65 = tpu.memref_slice %arg11[%add3A, %dma_start3A] : memref<5120x128xf32, #tpu.memory_space<vmem_shared>> -> memref<80x128xf32, #tpu.memory_space<vmem_shared>>
        %dma_start3A_66 = arith.constant 0 : i32
        %dma_start3A_67 = tpu.memref_slice %arg11[%add3A, %dma_start3A_66] : memref<5120x128xf32, #tpu.memory_space<vmem_shared>> -> memref<80x128xf32, #tpu.memory_space<vmem_shared>>
        tpu.enqueue_dma source(%arg10 : memref<80x128xf32, #tpu.memory_space<vmem>>) target(%dma_start3A_67 : memref<80x128xf32, #tpu.memory_space<vmem_shared>>) target_semaphore(%run_scoped3A : memref<!tpu.dma_semaphore, #tpu.memory_space<semaphore_mem>>)
        %dma_wait3A = arith.constant 0 : i32
        %dma_wait3A_68 = tpu.memref_slice %arg11[%add3A, %dma_wait3A] : memref<5120x128xf32, #tpu.memory_space<vmem_shared>> -> memref<80x128xf32, #tpu.memory_space<vmem_shared>>
        %dma_wait3A_69 = arith.constant 0 : i32
        %dma_wait3A_70 = tpu.memref_slice %arg11[%add3A, %dma_wait3A_69] : memref<5120x128xf32, #tpu.memory_space<vmem_shared>> -> memref<80x128xf32, #tpu.memory_space<vmem_shared>>
        tpu.wait_dma2 semaphore(%run_scoped3A : memref<!tpu.dma_semaphore, #tpu.memory_space<semaphore_mem>>) src(%arg10 : memref<80x128xf32, #tpu.memory_space<vmem>>) dst(%dma_wait3A_70 : memref<80x128xf32, #tpu.memory_space<vmem_shared>>)
        tpu.yield
      }) : () -> ()
      %scan3A_64 = arith.constant 0 : i32
      scf.yield %scan3A_64 : i32
    }
    %scan3A_14 = arith.constant 4 : i32
    %barrier3A = arith.constant 0 : index
    tpu.barrier barrier_id(%barrier3A)
    %broadcast_in_dim3A_15 = arith.constant 0 : i32
    %broadcast_in_dim3A_16 = vector.broadcast %broadcast_in_dim3A_15 : i32 to vector<16xi32>
    %broadcast_in_dim3A_17 = arith.constant 5000 : i32
    %broadcast_in_dim3A_18 = vector.broadcast %broadcast_in_dim3A_17 : i32 to vector<16xi32>
    %scan3A_19 = arith.constant 0 : i32
    %scan3A_20 = arith.constant 0 : i32
    %scan3A_21 = arith.constant 6 : i32
    %scan3A_22 = arith.addi %scan3A_20, %scan3A_21 : i32
    %scan3A_23 = arith.constant 1 : i32
    %scan3A_24 = scf.for %scan3A_58 = %scan3A_20 to %scan3A_22 step %scan3A_23 iter_args(%scan3A_59 = %scan3A_19) -> (i32)  : i32 {
      %mul3A_60 = arith.constant 16 : i32
      %mul3A_61 = arith.muli %scan3A_58, %mul3A_60 : i32
      %add3A = arith.constant 20000 : i32
      %add3A_62 = arith.addi %add3A, %mul3A_61 : i32
      %swap3A = arith.index_cast %add3A_62 : i32 to index
      %swap3A_63 = tpu.vector_load %arg6[%swap3A] {strides = array<i32>} : memref<20096xi32, #tpu.memory_space<vmem>>, vector<16xi32>,
      %swap3A_64 = vector.shape_cast %swap3A_63 : vector<16xi32> to vector<16xi32>
      %swap3A_65 = vector.shape_cast %broadcast_in_dim3A_16 : vector<16xi32> to vector<16xi32>
      tpu.vector_store %arg6[%swap3A], %swap3A_65 {strides = array<i32>} : memref<20096xi32, #tpu.memory_space<vmem>>, vector<16xi32>,
      %mul3A_66 = arith.constant 5000 : i32
      %mul3A_67 = arith.muli %arg0, %mul3A_66 : i32
      %add3A_68 = vector.broadcast %mul3A_67 : i32 to vector<16xi32>
      %add3A_69 = arith.addi %broadcast_in_dim3A_18, %add3A_68 : vector<16xi32>
      %mul3A_70 = arith.constant 16 : i32
      %mul3A_71 = arith.muli %scan3A_58, %mul3A_70 : i32
      %add3A_72 = arith.constant 20000 : i32
      %add3A_73 = arith.addi %add3A_72, %mul3A_71 : i32
      %swap3A_74 = arith.index_cast %add3A_73 : i32 to index
      %swap3A_75 = tpu.vector_load %arg7[%swap3A_74] {strides = array<i32>} : memref<20096xi32, #tpu.memory_space<vmem>>, vector<16xi32>,
      %swap3A_76 = vector.shape_cast %swap3A_75 : vector<16xi32> to vector<16xi32>
      %swap3A_77 = vector.shape_cast %add3A_69 : vector<16xi32> to vector<16xi32>
      tpu.vector_store %arg7[%swap3A_74], %swap3A_77 {strides = array<i32>} : memref<20096xi32, #tpu.memory_space<vmem>>, vector<16xi32>,
      %scan3A_78 = arith.constant 0 : i32
      scf.yield %scan3A_78 : i32
    }
    %scan3A_25 = arith.constant 6 : i32
    "tpu.region"() ({
      %run_scoped3A = tpu.sem_alloc : memref<!tpu.dma_semaphore, #tpu.memory_space<semaphore_mem>>
      %dma_start3A = arith.constant 0 : i32
      %dma_start3A_58 = tpu.memref_slice %arg6[%dma_start3A] : memref<20096xi32, #tpu.memory_space<vmem>> -> memref<20000xi32, #tpu.memory_space<vmem>>
      %dma_start3A_59 = tpu.memref_slice %arg2[%mul3A_0] : memref<320000xi32, #tpu.memory_space<hbm>> -> memref<20000xi32, #tpu.memory_space<hbm>>
      %dma_start3A_60 = arith.constant 0 : i32
      %dma_start3A_61 = tpu.memref_slice %arg6[%dma_start3A_60] : memref<20096xi32, #tpu.memory_space<vmem>> -> memref<20000xi32, #tpu.memory_space<vmem>>
      %dma_start3A_62 = tpu.memref_slice %arg2[%mul3A_0] : memref<320000xi32, #tpu.memory_space<hbm>> -> memref<20000xi32, #tpu.memory_space<hbm>>
      tpu.enqueue_dma source(%dma_start3A_62 : memref<20000xi32, #tpu.memory_space<hbm>>) target(%dma_start3A_61 : memref<20000xi32, #tpu.memory_space<vmem>>) target_semaphore(%run_scoped3A : memref<!tpu.dma_semaphore, #tpu.memory_space<semaphore_mem>>)
      %dma_wait3A = arith.constant 0 : i32
      %dma_wait3A_63 = tpu.memref_slice %arg6[%dma_wait3A] : memref<20096xi32, #tpu.memory_space<vmem>> -> memref<20000xi32, #tpu.memory_space<vmem>>
      %dma_wait3A_64 = tpu.memref_slice %arg2[%mul3A_0] : memref<320000xi32, #tpu.memory_space<hbm>> -> memref<20000xi32, #tpu.memory_space<hbm>>
      %dma_wait3A_65 = arith.constant 0 : i32
      %dma_wait3A_66 = tpu.memref_slice %arg6[%dma_wait3A_65] : memref<20096xi32, #tpu.memory_space<vmem>> -> memref<20000xi32, #tpu.memory_space<vmem>>
      %dma_wait3A_67 = tpu.memref_slice %arg2[%mul3A_0] : memref<320000xi32, #tpu.memory_space<hbm>> -> memref<20000xi32, #tpu.memory_space<hbm>>
      tpu.wait_dma2 semaphore(%run_scoped3A : memref<!tpu.dma_semaphore, #tpu.memory_space<semaphore_mem>>) src(%dma_wait3A_67 : memref<20000xi32, #tpu.memory_space<hbm>>) dst(%dma_wait3A_66 : memref<20000xi32, #tpu.memory_space<vmem>>)
      tpu.yield
    }) : () -> ()
    "tpu.region"() ({
      %run_scoped3A = tpu.sem_alloc : memref<!tpu.dma_semaphore, #tpu.memory_space<semaphore_mem>>
      %dma_start3A = arith.constant 0 : i32
      %dma_start3A_58 = tpu.memref_slice %arg7[%dma_start3A] : memref<20096xi32, #tpu.memory_space<vmem>> -> memref<20000xi32, #tpu.memory_space<vmem>>
      %dma_start3A_59 = tpu.memref_slice %arg3[%mul3A_0] : memref<320000xi32, #tpu.memory_space<hbm>> -> memref<20000xi32, #tpu.memory_space<hbm>>
      %dma_start3A_60 = arith.constant 0 : i32
      %dma_start3A_61 = tpu.memref_slice %arg7[%dma_start3A_60] : memref<20096xi32, #tpu.memory_space<vmem>> -> memref<20000xi32, #tpu.memory_space<vmem>>
      %dma_start3A_62 = tpu.memref_slice %arg3[%mul3A_0] : memref<320000xi32, #tpu.memory_space<hbm>> -> memref<20000xi32, #tpu.memory_space<hbm>>
      tpu.enqueue_dma source(%dma_start3A_62 : memref<20000xi32, #tpu.memory_space<hbm>>) target(%dma_start3A_61 : memref<20000xi32, #tpu.memory_space<vmem>>) target_semaphore(%run_scoped3A : memref<!tpu.dma_semaphore, #tpu.memory_space<semaphore_mem>>)
      %dma_wait3A = arith.constant 0 : i32
      %dma_wait3A_63 = tpu.memref_slice %arg7[%dma_wait3A] : memref<20096xi32, #tpu.memory_space<vmem>> -> memref<20000xi32, #tpu.memory_space<vmem>>
      %dma_wait3A_64 = tpu.memref_slice %arg3[%mul3A_0] : memref<320000xi32, #tpu.memory_space<hbm>> -> memref<20000xi32, #tpu.memory_space<hbm>>
      %dma_wait3A_65 = arith.constant 0 : i32
      %dma_wait3A_66 = tpu.memref_slice %arg7[%dma_wait3A_65] : memref<20096xi32, #tpu.memory_space<vmem>> -> memref<20000xi32, #tpu.memory_space<vmem>>
      %dma_wait3A_67 = tpu.memref_slice %arg3[%mul3A_0] : memref<320000xi32, #tpu.memory_space<hbm>> -> memref<20000xi32, #tpu.memory_space<hbm>>
      tpu.wait_dma2 semaphore(%run_scoped3A : memref<!tpu.dma_semaphore, #tpu.memory_space<semaphore_mem>>) src(%dma_wait3A_67 : memref<20000xi32, #tpu.memory_space<hbm>>) dst(%dma_wait3A_66 : memref<20000xi32, #tpu.memory_space<vmem>>)
      tpu.yield
    }) : () -> ()
    %broadcast_in_dim3A_26 = arith.constant 1 : i32
    %broadcast_in_dim3A_27 = vector.broadcast %broadcast_in_dim3A_26 : i32 to vector<16xi32>
    %mul3A_28 = arith.constant 5000 : i32
    %mul3A_29 = arith.muli %arg0, %mul3A_28 : i32
    %mul3A_30 = vector.broadcast %mul3A_29 : i32 to vector<16xi32>
    %mul3A_31 = arith.muli %broadcast_in_dim3A_27, %mul3A_30 : vector<16xi32>
    %broadcast_in_dim3A_32 = arith.constant 5000 : i32
    %broadcast_in_dim3A_33 = vector.broadcast %broadcast_in_dim3A_32 : i32 to vector<16xi32>
    %broadcast_in_dim3A_34 = arith.constant 63 : i32
    %broadcast_in_dim3A_35 = vector.broadcast %broadcast_in_dim3A_34 : i32 to vector<16xi32>
    %scan3A_36 = arith.constant 0 : i32
    %scan3A_37 = arith.constant 0 : i32
    %scan3A_38 = arith.constant 157 : i32
    %scan3A_39 = arith.addi %scan3A_37, %scan3A_38 : i32
    %scan3A_40 = arith.constant 1 : i32
    %scan3A_41 = scf.for %scan3A_58 = %scan3A_37 to %scan3A_39 step %scan3A_40 iter_args(%scan3A_59 = %scan3A_36) -> (i32)  : i32 {
      %scan3A_60 = arith.constant 0 : i32
      %scan3A_61 = arith.constant 0 : i32
      %scan3A_62 = arith.constant 8 : i32
      %scan3A_63 = arith.addi %scan3A_61, %scan3A_62 : i32
      %scan3A_64 = arith.constant 1 : i32
      %scan3A_65 = scf.for %scan3A_68 = %scan3A_61 to %scan3A_63 step %scan3A_64 iter_args(%scan3A_69 = %scan3A_60) -> (i32)  : i32 {
        %mul3A_70 = arith.constant 128 : i32
        %mul3A_71 = arith.muli %scan3A_58, %mul3A_70 : i32
        %mul3A_72 = arith.constant 16 : i32
        %mul3A_73 = arith.muli %scan3A_68, %mul3A_72 : i32
        %add3A = arith.addi %mul3A_71, %mul3A_73 : i32
        %get3A = arith.index_cast %add3A : i32 to index
        %get3A_74 = tpu.vector_load %arg7[%get3A] {strides = array<i32>} : memref<20096xi32, #tpu.memory_space<vmem>>, vector<16xi32>,
        %get3A_75 = vector.shape_cast %get3A_74 : vector<16xi32> to vector<16xi32>
        %sub3A = arith.subi %get3A_75, %mul3A_31 : vector<16xi32>
        %ge3A = arith.constant 0 : i32
        %ge3A_76 = vector.broadcast %ge3A : i32 to vector<16xi32>
        %ge3A_77 = arith.cmpi sge, %sub3A, %ge3A_76 : vector<16xi32>
        %lt3A = arith.constant 5000 : i32
        %lt3A_78 = vector.broadcast %lt3A : i32 to vector<16xi32>
        %lt3A_79 = arith.cmpi slt, %sub3A, %lt3A_78 : vector<16xi32>
        %and3A = arith.andi %ge3A_77, %lt3A_79 : vector<16xi1>
        %and3A_80 = arith.andi %get3A_75, %broadcast_in_dim3A_35 : vector<16xi32>
        %add3A_81 = arith.addi %broadcast_in_dim3A_33, %and3A_80 : vector<16xi32>
        %select_n3A = arith.select %and3A, %sub3A, %add3A_81 : vector<16xi1>, vector<16xi32>
        %mul3A_82 = arith.constant 16 : i32
        %mul3A_83 = arith.muli %scan3A_68, %mul3A_82 : i32
        %swap3A = arith.index_cast %scan3A_58 : i32 to index
        %swap3A_84 = arith.index_cast %mul3A_83 : i32 to index
        %swap3A_85 = tpu.vector_load %arg8[%swap3A, %swap3A_84] {strides = array<i32>} : memref<157x128xi32, #tpu.memory_space<vmem>>, vector<1x16xi32>,
        %swap3A_86 = vector.shape_cast %swap3A_85 : vector<1x16xi32> to vector<16xi32>
        %swap3A_87 = vector.shape_cast %select_n3A : vector<16xi32> to vector<1x16xi32>
        tpu.vector_store %arg8[%swap3A, %swap3A_84], %swap3A_87 {strides = array<i32>} : memref<157x128xi32, #tpu.memory_space<vmem>>, vector<1x16xi32>,
        %scan3A_88 = arith.constant 0 : i32
        scf.yield %scan3A_88 : i32
      }
      %scan3A_66 = arith.constant 8 : i32
      %scan3A_67 = arith.constant 0 : i32
      scf.yield %scan3A_67 : i32
    }
    %scan3A_42 = arith.constant 157 : i32
    %scan3A_43 = arith.constant 0 : i32
    %scan3A_44 = arith.constant 0 : i32
    %scan3A_45 = arith.constant 157 : i32
    %scan3A_46 = arith.addi %scan3A_44, %scan3A_45 : i32
    %scan3A_47 = arith.constant 1 : i32
    %scan3A_48 = scf.for %scan3A_58 = %scan3A_44 to %scan3A_46 step %scan3A_47 iter_args(%scan3A_59 = %scan3A_43) -> (i32)  : i32 {
      %mul3A_60 = arith.constant 128 : i32
      %mul3A_61 = arith.muli %scan3A_58, %mul3A_60 : i32
      "tpu.region"() ({
        %run_scoped3A = tpu.sem_alloc : memref<!tpu.dma_semaphore, #tpu.memory_space<semaphore_mem>>
        %dma_start3A = tpu.memref_slice %arg6[%mul3A_61] : memref<20096xi32, #tpu.memory_space<vmem>> -> memref<128xi32, #tpu.memory_space<vmem>>
        %dma_start3A_63 = arith.constant 0 : i32
        %dma_start3A_64 = arith.constant 0 : i32
        %dma_start3A_65 = tpu.memref_slice %arg4[%dma_start3A_63, %dma_start3A_64] : memref<10000x128xf32, #tpu.memory_space<hbm>> -> memref<10000x128xf32, #tpu.memory_space<hbm>>
        tpu.enqueue_indirect_dma source(%dma_start3A_65 : memref<10000x128xf32, #tpu.memory_space<hbm>>) target(%arg9 : memref<128x128xf32, #tpu.memory_space<vmem>>) offsets(%dma_start3A : memref<128xi32, #tpu.memory_space<vmem>>) semaphore(%run_scoped3A : memref<!tpu.dma_semaphore, #tpu.memory_space<semaphore_mem>>)
        %dma_wait3A = tpu.memref_slice %arg6[%mul3A_61] : memref<20096xi32, #tpu.memory_space<vmem>> -> memref<128xi32, #tpu.memory_space<vmem>>
        %dma_wait3A_66 = arith.constant 0 : i32
        %dma_wait3A_67 = arith.constant 0 : i32
        %dma_wait3A_68 = tpu.memref_slice %arg4[%dma_wait3A_66, %dma_wait3A_67] : memref<10000x128xf32, #tpu.memory_space<hbm>> -> memref<10000x128xf32, #tpu.memory_space<hbm>>
        tpu.wait_indirect_dma semaphore(%run_scoped3A : memref<!tpu.dma_semaphore, #tpu.memory_space<semaphore_mem>>) src(%dma_wait3A_68 : memref<10000x128xf32, #tpu.memory_space<hbm>>) dst(%arg9 : memref<128x128xf32, #tpu.memory_space<vmem>>)
        tpu.yield
      }) : () -> ()
      "tpu.region"() ({
        %run_scoped3A = tpu.sem_alloc : memref<!tpu.dma_semaphore, #tpu.memory_space<semaphore_mem>>
        %dma_start3A = arith.constant 0 : i32
        %dma_start3A_63 = tpu.memref_slice %arg8[%scan3A_58, %dma_start3A] : memref<157x128xi32, #tpu.memory_space<vmem>> -> memref<1x128xi32, #tpu.memory_space<vmem>>
        %dma_start3A_64 = tpu.memref_squeeze %dma_start3A_63 : memref<1x128xi32, #tpu.memory_space<vmem>> -> memref<128xi32, #tpu.memory_space<vmem>>
        %dma_start3A_65 = arith.constant 0 : i32
        %dma_start3A_66 = arith.constant 0 : i32
        %dma_start3A_67 = tpu.memref_slice %arg11[%dma_start3A_65, %dma_start3A_66] : memref<5120x128xf32, #tpu.memory_space<vmem_shared>> -> memref<5120x128xf32, #tpu.memory_space<vmem_shared>>
        tpu.enqueue_indirect_dma source(%arg9 : memref<128x128xf32, #tpu.memory_space<vmem>>) target(%dma_start3A_67 : memref<5120x128xf32, #tpu.memory_space<vmem_shared>>) offsets(%dma_start3A_64 : memref<128xi32, #tpu.memory_space<vmem>>) semaphore(%run_scoped3A : memref<!tpu.dma_semaphore, #tpu.memory_space<semaphore_mem>>) {add = true}
        %dma_wait3A = arith.constant 0 : i32
        %dma_wait3A_68 = tpu.memref_slice %arg8[%scan3A_58, %dma_wait3A] : memref<157x128xi32, #tpu.memory_space<vmem>> -> memref<1x128xi32, #tpu.memory_space<vmem>>
        %dma_wait3A_69 = tpu.memref_squeeze %dma_wait3A_68 : memref<1x128xi32, #tpu.memory_space<vmem>> -> memref<128xi32, #tpu.memory_space<vmem>>
        %dma_wait3A_70 = arith.constant 0 : i32
        %dma_wait3A_71 = arith.constant 0 : i32
        %dma_wait3A_72 = tpu.memref_slice %arg11[%dma_wait3A_70, %dma_wait3A_71] : memref<5120x128xf32, #tpu.memory_space<vmem_shared>> -> memref<5120x128xf32, #tpu.memory_space<vmem_shared>>
        tpu.wait_indirect_dma semaphore(%run_scoped3A : memref<!tpu.dma_semaphore, #tpu.memory_space<semaphore_mem>>) src(%arg9 : memref<128x128xf32, #tpu.memory_space<vmem>>) dst(%dma_wait3A_72 : memref<5120x128xf32, #tpu.memory_space<vmem_shared>>)
        tpu.yield
      }) : () -> ()
      %scan3A_62 = arith.constant 0 : i32
      scf.yield %scan3A_62 : i32
    }
    %scan3A_49 = arith.constant 157 : i32
    %barrier3A_50 = arith.constant 0 : index
    tpu.barrier barrier_id(%barrier3A_50)
    %scan3A_51 = arith.constant 0 : i32
    %scan3A_52 = arith.constant 0 : i32
    %scan3A_53 = arith.constant 4 : i32
    %scan3A_54 = arith.addi %scan3A_52, %scan3A_53 : i32
    %scan3A_55 = arith.constant 1 : i32
    %scan3A_56 = scf.for %scan3A_58 = %scan3A_52 to %scan3A_54 step %scan3A_55 iter_args(%scan3A_59 = %scan3A_51) -> (i32)  : i32 {
      %mul3A_60 = arith.constant 320 : i32
      %mul3A_61 = arith.muli %arg1, %mul3A_60 : i32
      %mul3A_62 = arith.constant 80 : i32
      %mul3A_63 = arith.muli %scan3A_58, %mul3A_62 : i32
      %add3A = arith.addi %mul3A_61, %mul3A_63 : i32
      "tpu.region"() ({
        %run_scoped3A = tpu.sem_alloc : memref<!tpu.dma_semaphore, #tpu.memory_space<semaphore_mem>>
        %dma_start3A = arith.constant 0 : i32
        %dma_start3A_70 = tpu.memref_slice %arg11[%add3A, %dma_start3A] : memref<5120x128xf32, #tpu.memory_space<vmem_shared>> -> memref<80x128xf32, #tpu.memory_space<vmem_shared>>
        %dma_start3A_71 = arith.constant 0 : i32
        %dma_start3A_72 = tpu.memref_slice %arg11[%add3A, %dma_start3A_71] : memref<5120x128xf32, #tpu.memory_space<vmem_shared>> -> memref<80x128xf32, #tpu.memory_space<vmem_shared>>
        tpu.enqueue_dma source(%dma_start3A_72 : memref<80x128xf32, #tpu.memory_space<vmem_shared>>) target(%arg10 : memref<80x128xf32, #tpu.memory_space<vmem>>) target_semaphore(%run_scoped3A : memref<!tpu.dma_semaphore, #tpu.memory_space<semaphore_mem>>)
        %dma_wait3A = arith.constant 0 : i32
        %dma_wait3A_73 = tpu.memref_slice %arg11[%add3A, %dma_wait3A] : memref<5120x128xf32, #tpu.memory_space<vmem_shared>> -> memref<80x128xf32, #tpu.memory_space<vmem_shared>>
        %dma_wait3A_74 = arith.constant 0 : i32
        %dma_wait3A_75 = tpu.memref_slice %arg11[%add3A, %dma_wait3A_74] : memref<5120x128xf32, #tpu.memory_space<vmem_shared>> -> memref<80x128xf32, #tpu.memory_space<vmem_shared>>
        tpu.wait_dma2 semaphore(%run_scoped3A : memref<!tpu.dma_semaphore, #tpu.memory_space<semaphore_mem>>) src(%dma_wait3A_75 : memref<80x128xf32, #tpu.memory_space<vmem_shared>>) dst(%arg10 : memref<80x128xf32, #tpu.memory_space<vmem>>)
        tpu.yield
      }) : () -> ()
      %mul3A_64 = arith.constant 320 : i32
      %mul3A_65 = arith.muli %arg1, %mul3A_64 : i32
      %mul3A_66 = arith.constant 80 : i32
      %mul3A_67 = arith.muli %scan3A_58, %mul3A_66 : i32
      %add3A_68 = arith.addi %mul3A_65, %mul3A_67 : i32
      "tpu.region"() ({
        %run_scoped3A = tpu.sem_alloc : memref<!tpu.dma_semaphore, #tpu.memory_space<semaphore_mem>>
        %dma_start3A = arith.constant 0 : i32
        %dma_start3A_70 = tpu.memref_slice %arg5[%arg0, %add3A_68, %dma_start3A] : memref<2x5120x128xf32, #tpu.memory_space<hbm>> -> memref<1x80x128xf32, #tpu.memory_space<hbm>>
        %dma_start3A_71 = tpu.memref_squeeze %dma_start3A_70 : memref<1x80x128xf32, #tpu.memory_space<hbm>> -> memref<80x128xf32, #tpu.memory_space<hbm>>
        %dma_start3A_72 = arith.constant 0 : i32
        %dma_start3A_73 = tpu.memref_slice %arg5[%arg0, %add3A_68, %dma_start3A_72] : memref<2x5120x128xf32, #tpu.memory_space<hbm>> -> memref<1x80x128xf32, #tpu.memory_space<hbm>>
        %dma_start3A_74 = tpu.memref_squeeze %dma_start3A_73 : memref<1x80x128xf32, #tpu.memory_space<hbm>> -> memref<80x128xf32, #tpu.memory_space<hbm>>
        tpu.enqueue_dma source(%arg10 : memref<80x128xf32, #tpu.memory_space<vmem>>) target(%dma_start3A_74 : memref<80x128xf32, #tpu.memory_space<hbm>>) target_semaphore(%run_scoped3A : memref<!tpu.dma_semaphore, #tpu.memory_space<semaphore_mem>>)
        %dma_wait3A = arith.constant 0 : i32
        %dma_wait3A_75 = tpu.memref_slice %arg5[%arg0, %add3A_68, %dma_wait3A] : memref<2x5120x128xf32, #tpu.memory_space<hbm>> -> memref<1x80x128xf32, #tpu.memory_space<hbm>>
        %dma_wait3A_76 = tpu.memref_squeeze %dma_wait3A_75 : memref<1x80x128xf32, #tpu.memory_space<hbm>> -> memref<80x128xf32, #tpu.memory_space<hbm>>
        %dma_wait3A_77 = arith.constant 0 : i32
        %dma_wait3A_78 = tpu.memref_slice %arg5[%arg0, %add3A_68, %dma_wait3A_77] : memref<2x5120x128xf32, #tpu.memory_space<hbm>> -> memref<1x80x128xf32, #tpu.memory_space<hbm>>
        %dma_wait3A_79 = tpu.memref_squeeze %dma_wait3A_78 : memref<1x80x128xf32, #tpu.memory_space<hbm>> -> memref<80x128xf32, #tpu.memory_space<hbm>>
        tpu.wait_dma2 semaphore(%run_scoped3A : memref<!tpu.dma_semaphore, #tpu.memory_space<semaphore_mem>>) src(%arg10 : memref<80x128xf32, #tpu.memory_space<vmem>>) dst(%dma_wait3A_79 : memref<80x128xf32, #tpu.memory_space<hbm>>)
        tpu.yield
      }) : () -> ()
      %scan3A_69 = arith.constant 0 : i32
      scf.yield %scan3A_69 : i32
    }
    %scan3A_57 = arith.constant 4 : i32
    return
  }
}

module attributes {stable_mosaic.version = 14 : i64} {
  func.func @_scale_body(%arg0: i32, %arg1: memref<1000x2xf32, #tpu.memory_space<vmem>>, %arg2: memref<1000x128xf32, #tpu.memory_space<vmem>>, %arg3: memref<1000x128xf32, #tpu.memory_space<vmem>>) attributes {dimension_semantics = [#tpu.dimension_semantics<arbitrary>], iteration_bounds = array<i64: 10>, scalar_prefetch = 0 : i64, scratch_operands = 0 : i64, tpu.core_type = #tpu.core_type<tc>, window_params = [{transform_indices = @transform_0, window_bounds = array<i64: 1000, 2>}, {transform_indices = @transform_1, window_bounds = array<i64: 1000, 128>}, {transform_indices = @transform_2, window_bounds = array<i64: 1000, 128>}]} {
    %get3A = arith.constant 0 : index
    %get3A_0 = arith.constant 0 : index
    %get3A_1 = vector.load %arg1[%get3A, %get3A_0] : memref<1000x2xf32, #tpu.memory_space<vmem>>, vector<1000x1xf32>
    %get3A_2 = arith.constant 0 : index
    %get3A_3 = arith.constant 1 : index
    %get3A_4 = vector.load %arg1[%get3A_2, %get3A_3] : memref<1000x2xf32, #tpu.memory_space<vmem>>, vector<1000x1xf32>
    %add3A = arith.addf %get3A_1, %get3A_4 : vector<1000x1xf32>
    %add3A_5 = arith.constant 1.000000e+00 : f32
    %add3A_6 = vector.broadcast %add3A_5 : f32 to vector<1000x1xf32>
    %add3A_7 = arith.addf %add3A, %add3A_6 : vector<1000x1xf32>
    %get3A_8 = arith.constant 0 : index
    %get3A_9 = arith.constant 0 : index
    %get3A_10 = vector.load %arg2[%get3A_8, %get3A_9] : memref<1000x128xf32, #tpu.memory_space<vmem>>, vector<1000x128xf32>
    %rsqrt3A = math.rsqrt %add3A_7 : vector<1000x1xf32>
    %mul3A = vector.broadcast %rsqrt3A : vector<1000x1xf32> to vector<1000x128xf32>
    %mul3A_11 = arith.mulf %get3A_10, %mul3A : vector<1000x128xf32>
    %swap3A = arith.constant 0 : index
    %swap3A_12 = arith.constant 0 : index
    %swap3A_13 = vector.load %arg3[%swap3A, %swap3A_12] : memref<1000x128xf32, #tpu.memory_space<vmem>>, vector<1000x128xf32>
    tpu.vector_store %arg3[%swap3A, %swap3A_12], %mul3A_11 {strides = array<i32>} : memref<1000x128xf32, #tpu.memory_space<vmem>>, vector<1000x128xf32>,
    return
  }
  func.func @transform_0(%arg0: i32) -> (i32, i32) {
    %c0_i32 = arith.constant 0 : i32
    %c0_i32_0 = arith.constant 0 : i32
    return %arg0, %c0_i32 : i32, i32
  }
  func.func @transform_1(%arg0: i32) -> (i32, i32) {
    %c0_i32 = arith.constant 0 : i32
    %c0_i32_0 = arith.constant 0 : i32
    return %arg0, %c0_i32 : i32, i32
  }
  func.func @transform_2(%arg0: i32) -> (i32, i32) {
    %c0_i32 = arith.constant 0 : i32
    %c0_i32_0 = arith.constant 0 : i32
    return %arg0, %c0_i32 : i32, i32
  }
}

module attributes {stable_mosaic.version = 14 : i64} {
  func.func @_mm_body(%arg0: i32, %arg1: memref<1x1000x128xf32, #tpu.memory_space<vmem>>, %arg2: memref<1000x128xf32, #tpu.memory_space<vmem>>, %arg3: memref<1000x2xf32, #tpu.memory_space<vmem>>, %arg4: memref<128x128xf32, #tpu.memory_space<vmem>>, %arg5: memref<1x128xf32, #tpu.memory_space<vmem>>, %arg6: memref<128x128xf32, #tpu.memory_space<vmem>>, %arg7: memref<1x128xf32, #tpu.memory_space<vmem>>, %arg8: memref<1000x128xf32, #tpu.memory_space<vmem>>, %arg9: memref<1000x128xf32, #tpu.memory_space<vmem>>) attributes {dimension_semantics = [#tpu.dimension_semantics<arbitrary>], iteration_bounds = array<i64: 10>, scalar_prefetch = 0 : i64, scratch_operands = 0 : i64, tpu.core_type = #tpu.core_type<tc>, window_params = [{transform_indices = @transform_0, window_bounds = array<i64: 1, 1000, 128>}, {transform_indices = @transform_1, window_bounds = array<i64: 1000, 128>}, {transform_indices = @transform_2, window_bounds = array<i64: 1000, 2>}, {pipeline_mode = #tpu.pipeline_mode<synchronous>, transform_indices = @transform_3, window_bounds = array<i64: 128, 128>}, {pipeline_mode = #tpu.pipeline_mode<synchronous>, transform_indices = @transform_4, window_bounds = array<i64: 1, 128>}, {pipeline_mode = #tpu.pipeline_mode<synchronous>, transform_indices = @transform_5, window_bounds = array<i64: 128, 128>}, {pipeline_mode = #tpu.pipeline_mode<synchronous>, transform_indices = @transform_6, window_bounds = array<i64: 1, 128>}, {transform_indices = @transform_7, window_bounds = array<i64: 1000, 128>}, {transform_indices = @transform_8, window_bounds = array<i64: 1000, 128>}]} {
    %get3A = arith.constant 0 : index
    %get3A_0 = arith.constant 0 : index
    %get3A_1 = vector.load %arg3[%get3A, %get3A_0] : memref<1000x2xf32, #tpu.memory_space<vmem>>, vector<1000x1xf32>
    %get3A_2 = arith.constant 0 : index
    %get3A_3 = arith.constant 1 : index
    %get3A_4 = vector.load %arg3[%get3A_2, %get3A_3] : memref<1000x2xf32, #tpu.memory_space<vmem>>, vector<1000x1xf32>
    %add3A = arith.addf %get3A_1, %get3A_4 : vector<1000x1xf32>
    %add3A_5 = arith.constant 1.000000e+00 : f32
    %add3A_6 = vector.broadcast %add3A_5 : f32 to vector<1000x1xf32>
    %add3A_7 = arith.addf %add3A, %add3A_6 : vector<1000x1xf32>
    %get3A_8 = arith.constant 0 : index
    %get3A_9 = arith.constant 0 : index
    %get3A_10 = arith.constant 0 : index
    %get3A_11 = vector.load %arg1[%get3A_8, %get3A_9, %get3A_10] : memref<1x1000x128xf32, #tpu.memory_space<vmem>>, vector<1x1000x128xf32>
    %get3A_12 = vector.shape_cast %get3A_11 : vector<1x1000x128xf32> to vector<1000x128xf32>
    %get3A_13 = arith.constant 0 : index
    %get3A_14 = arith.constant 0 : index
    %get3A_15 = vector.load %arg2[%get3A_13, %get3A_14] : memref<1000x128xf32, #tpu.memory_space<vmem>>, vector<1000x128xf32>
    %add3A_16 = arith.addf %get3A_12, %get3A_15 : vector<1000x128xf32>
    %rsqrt3A = math.rsqrt %add3A_7 : vector<1000x1xf32>
    %mul3A = vector.broadcast %rsqrt3A : vector<1000x1xf32> to vector<1000x128xf32>
    %mul3A_17 = arith.mulf %add3A_16, %mul3A : vector<1000x128xf32>
    %get3A_18 = arith.constant 0 : index
    %get3A_19 = arith.constant 0 : index
    %get3A_20 = vector.load %arg4[%get3A_18, %get3A_19] : memref<128x128xf32, #tpu.memory_space<vmem>>, vector<128x128xf32>
    %dot_general3A = arith.constant dense<0.000000e+00> : vector<1000x128xf32>
    %dot_general3A_21 = tpu.matmul %mul3A_17, %get3A_20, %dot_general3A {dimension_numbers = #tpu.dot_dimension_numbers<[1], [0], [0], [1], [0, 0, 1, 1], [], []>, transpose_lhs_hint = false} : vector<1000x128xf32>, vector<128x128xf32>, vector<1000x128xf32> -> vector<1000x128xf32>
    %get3A_22 = arith.constant 0 : index
    %get3A_23 = arith.constant 0 : index
    %get3A_24 = vector.load %arg5[%get3A_22, %get3A_23] : memref<1x128xf32, #tpu.memory_space<vmem>>, vector<1x128xf32>
    %add3A_25 = vector.broadcast %get3A_24 : vector<1x128xf32> to vector<1000x128xf32>
    %add3A_26 = arith.addf %dot_general3A_21, %add3A_25 : vector<1000x128xf32>
    %swap3A = arith.constant 0 : index
    %swap3A_27 = arith.constant 0 : index
    %swap3A_28 = vector.load %arg8[%swap3A, %swap3A_27] : memref<1000x128xf32, #tpu.memory_space<vmem>>, vector<1000x128xf32>
    tpu.vector_store %arg8[%swap3A, %swap3A_27], %add3A_26 {strides = array<i32>} : memref<1000x128xf32, #tpu.memory_space<vmem>>, vector<1000x128xf32>,
    %get3A_29 = arith.constant 0 : index
    %get3A_30 = arith.constant 0 : index
    %get3A_31 = vector.load %arg6[%get3A_29, %get3A_30] : memref<128x128xf32, #tpu.memory_space<vmem>>, vector<128x128xf32>
    %dot_general3A_32 = arith.constant dense<0.000000e+00> : vector<1000x128xf32>
    %dot_general3A_33 = tpu.matmul %mul3A_17, %get3A_31, %dot_general3A_32 {dimension_numbers = #tpu.dot_dimension_numbers<[1], [0], [0], [1], [0, 0, 1, 1], [], []>, transpose_lhs_hint = false} : vector<1000x128xf32>, vector<128x128xf32>, vector<1000x128xf32> -> vector<1000x128xf32>
    %get3A_34 = arith.constant 0 : index
    %get3A_35 = arith.constant 0 : index
    %get3A_36 = vector.load %arg7[%get3A_34, %get3A_35] : memref<1x128xf32, #tpu.memory_space<vmem>>, vector<1x128xf32>
    %add3A_37 = vector.broadcast %get3A_36 : vector<1x128xf32> to vector<1000x128xf32>
    %add3A_38 = arith.addf %dot_general3A_33, %add3A_37 : vector<1000x128xf32>
    %swap3A_39 = arith.constant 0 : index
    %swap3A_40 = arith.constant 0 : index
    %swap3A_41 = vector.load %arg9[%swap3A_39, %swap3A_40] : memref<1000x128xf32, #tpu.memory_space<vmem>>, vector<1000x128xf32>
    tpu.vector_store %arg9[%swap3A_39, %swap3A_40], %add3A_38 {strides = array<i32>} : memref<1000x128xf32, #tpu.memory_space<vmem>>, vector<1000x128xf32>,
    return
  }
  func.func @transform_0(%arg0: i32) -> (i32, i32, i32) {
    %jit3A = arith.constant 5 : i32
    %div3A = arith.divsi %arg0, %jit3A : i32
    %sign3A = arith.constant 0 : i32
    %sign3A_0 = arith.cmpi sgt, %arg0, %sign3A : i32
    %sign3A_1 = arith.extui %sign3A_0 : i1 to i32
    %sign3A_2 = arith.constant 0 : i32
    %sign3A_3 = arith.cmpi slt, %arg0, %sign3A_2 : i32
    %sign3A_4 = arith.extui %sign3A_3 : i1 to i32
    %sign3A_5 = arith.subi %sign3A_1, %sign3A_4 : i32
    %sign3A_6 = arith.constant 0 : i32
    %sign3A_7 = arith.cmpi sgt, %jit3A, %sign3A_6 : i32
    %sign3A_8 = arith.extui %sign3A_7 : i1 to i32
    %sign3A_9 = arith.constant 0 : i32
    %sign3A_10 = arith.cmpi slt, %jit3A, %sign3A_9 : i32
    %sign3A_11 = arith.extui %sign3A_10 : i1 to i32
    %sign3A_12 = arith.subi %sign3A_8, %sign3A_11 : i32
    %ne3A = arith.cmpi ne, %sign3A_5, %sign3A_12 : i32
    %rem3A = arith.remsi %arg0, %jit3A : i32
    %ne3A_13 = arith.constant 0 : i32
    %ne3A_14 = arith.cmpi ne, %rem3A, %ne3A_13 : i32
    %and3A = arith.andi %ne3A, %ne3A_14 : i1
    %sub3A = arith.constant 1 : i32
    %sub3A_15 = arith.subi %div3A, %sub3A : i32
    %select_n3A = arith.select %and3A, %sub3A_15, %div3A : i32
    %jit3A_16 = arith.constant 5 : i32
    %eq3A = arith.constant 0 : i32
    %eq3A_17 = arith.cmpi eq, %jit3A_16, %eq3A : i32
    %jit3A_18 = arith.constant 1 : i32
    %select_n3A_19 = arith.select %eq3A_17, %jit3A_18, %jit3A_16 : i32
    %rem3A_20 = arith.remsi %arg0, %select_n3A_19 : i32
    %ne3A_21 = arith.constant 0 : i32
    %ne3A_22 = arith.cmpi ne, %rem3A_20, %ne3A_21 : i32
    %lt3A = arith.constant 0 : i32
    %lt3A_23 = arith.cmpi slt, %rem3A_20, %lt3A : i32
    %lt3A_24 = arith.constant 0 : i32
    %lt3A_25 = arith.cmpi slt, %select_n3A_19, %lt3A_24 : i32
    %ne3A_26 = arith.xori %lt3A_23, %lt3A_25 : i1
    %and3A_27 = arith.andi %ne3A_26, %ne3A_22 : i1
    %add3A = arith.addi %rem3A_20, %select_n3A_19 : i32
    %select_n3A_28 = arith.select %and3A_27, %add3A, %rem3A_20 : i32
    %c0_i32 = arith.constant 0 : i32
    %c0_i32_29 = arith.constant 0 : i32
    return %select_n3A, %select_n3A_28, %c0_i32 : i32, i32, i32
  }
  func.func @transform_1(%arg0: i32) -> (i32, i32) {
    %c0_i32 = arith.constant 0 : i32
    %c0_i32_0 = arith.constant 0 : i32
    return %arg0, %c0_i32 : i32, i32
  }
  func.func @transform_2(%arg0: i32) -> (i32, i32) {
    %c0_i32 = arith.constant 0 : i32
    %c0_i32_0 = arith.constant 0 : i32
    return %arg0, %c0_i32 : i32, i32
  }
  func.func @transform_3(%arg0: i32) -> (i32, i32) {
    %c0_i32 = arith.constant 0 : i32
    %c0_i32_0 = arith.constant 0 : i32
    %c0_i32_1 = arith.constant 0 : i32
    return %c0_i32, %c0_i32_0 : i32, i32
  }
  func.func @transform_4(%arg0: i32) -> (i32, i32) {
    %c0_i32 = arith.constant 0 : i32
    %c0_i32_0 = arith.constant 0 : i32
    %c0_i32_1 = arith.constant 0 : i32
    return %c0_i32, %c0_i32_0 : i32, i32
  }
  func.func @transform_5(%arg0: i32) -> (i32, i32) {
    %c0_i32 = arith.constant 0 : i32
    %c0_i32_0 = arith.constant 0 : i32
    %c0_i32_1 = arith.constant 0 : i32
    return %c0_i32, %c0_i32_0 : i32, i32
  }
  func.func @transform_6(%arg0: i32) -> (i32, i32) {
    %c0_i32 = arith.constant 0 : i32
    %c0_i32_0 = arith.constant 0 : i32
    %c0_i32_1 = arith.constant 0 : i32
    return %c0_i32, %c0_i32_0 : i32, i32
  }
  func.func @transform_7(%arg0: i32) -> (i32, i32) {
    %c0_i32 = arith.constant 0 : i32
    %c0_i32_0 = arith.constant 0 : i32
    return %arg0, %c0_i32 : i32, i32
  }
  func.func @transform_8(%arg0: i32) -> (i32, i32) {
    %c0_i32 = arith.constant 0 : i32
    %c0_i32_0 = arith.constant 0 : i32
    return %arg0, %c0_i32 : i32, i32
  }
}

</mosaic_0001>

<sc_bundles>
// kernel: kernel.6.cloned.1.call-start
scs
__scs_entry_jumppad:
0x0: {  	(pc) =	sbr.rel $0x88, $3  }
0x1: {  	(tag) =	ssettag $0x0;
	lr =	simm.s32 $0x1  }
0x2: {  	[smem:$0x3F9B] =	sst lr;
	_ =	strace $0xD0000000  }
0x3: {  	_ = 	snop  }
0x4: {  	_ = 	snop  }
0x5: {  	_ = 	snop  }
0x6: {  	_ = 	snop  }
0x7: {  	_ = 	snop  }
__scs_overlays_trampoline_lowered:
0x8: {  	[smem:$0x3FAA] =	sst s0  }
0x9: {  	[smem:$0x3FAB] =	sst s1  }
0xa: {  	[smem:$0x3FAC] =	sst s2  }
0xb: {  	[smem:$0x3FAD] =	sst s3  }
0xc: {  	[smem:$0x3FAE] =	sst s4  }
0xd: {  	[smem:$0x3FAF] =	sst s5  }
0xe: {  	[smem:$0x3FB0] =	sst s6  }
0xf: {  	[smem:$0x3FB1] =	sst s7  }
0x10: {  	[smem:$0x3FB2] =	sst s8  }
0x11: {  	[smem:$0x3FB3] =	sst s9;
	s0 =	simm.s32 @!p0 $0x0  }
0x12: {  	s1 =	sld [smem:$0x3F99];
	s0 =	simm.s32 @p0 $0x1  }
0x13: {  	[smem:$0x3FB4] =	sst s0;
	s0 =	simm.s32 @!p1 $0x0  }
0x14: {  	s2 =	sld [smem:$0x3F98];
	s0 =	simm.s32 @p1 $0x1  }
0x15: {  	[smem:$0x3FB5] =	sst s0;
	s0 =	simm.s32 @!p2 $0x0  }
0x16: {  	s3 =	sld [smem:$0x3FDB];
	s0 =	simm.s32 @p2 $0x1  }
0x17: {  	s4 =	simm.s32 $0x1BF5;
	[smem:$0x3FB7] =	sst s0  }
0x18: {  	s0 =	sld [smem:$0x3F9A];
	_ =	swait.ge [sflag:s4], $0x0  }
0x19: {  	s7 =	sld [smem:$0x3F9B]  }
0x1a: {  	s8 =	sadd.s32 $0xFFFFE003, lr  }
0x1b: {  	s9 =	sadd.s32 $0xFFFFFEF7, lr;
	s5 =	simm.s32 $0xFFFFFFFF;
	p2 =	slt.u32 s8, $0xFFFFF086  }
0x1c: {  	p1 =	slt.u32 s9, $0xF7A;
	s5 =	simm.s32 @!p2 $0x0  }
0x1d: {  	s5 =	simm.s32 @p1 $0x1;
	p0 =	seq.s32 s7, s2  }
0x1e: {  	s7 =	smul.u32 @!p0 $0xF7A, s2;
	p2 =	seq.s32 @!p0 s5, $0x0  }
0x1f: {  	s9 =	smul.u32 $0xF7A, s1;
	s8 =	simm.s32 @!p0 $0x1BF5;
	p2 =	por !p2, p0  }
0x20: {  	[sflag:s8] =	ssyncset.s32 @!p0 $0xFFFFF086;
	s6 =	sadd.s32 @!p0 s3, s7;
	s7 =	simm.s32 @!p0 $0x108  }
0x21: {  	s3 =	sadd.s32 s3, s9;
	s6 =	sadd.s32 @!p0 $0x88, s6;
	s7 =	simm.s32 @p2 $0x1082  }
0x22: {  	[simem:s7], [sflag:s8] =	dma.local @!p0 [hbm:s6], $0xF7A  }
0x23: {  	s9 =	sor.u32 $0xD0000000, s2;
	s6 =	simm.s32 $0x108;
	_ =	swait.ge @!p0 [sflag:s8], $0x0  }
0x24: {  	s3 =	sadd.s32 $0x88, s3;
	s6 =	simm.s32 @!p1 $0x1082;
	[sflag:s4] =	ssyncset.s32 $0xFFFFF086  }
0x25: {  	[simem:s6], [sflag:s4] =	dma.local [hbm:s3], $0xF7A  }
0x26: {  	[smem:$0x3F9B] =	sst s1;
	(tag) =	ssettag s2;
	_ =	strace s9  }
0x27: {  	s1 =	sld [smem:$0x3FAB]  }
0x28: {  	s2 =	sld [smem:$0x3FAC]  }
0x29: {  	s4 =	sld [smem:$0x3FAE]  }
0x2a: {  	p0 =	seq.s32 s5, $0x0;
	s5 =	sld [smem:$0x3FAF]  }
0x2b: {  	s6 =	sld [smem:$0x3FB0]  }
0x2c: {  	s7 =	sld [smem:$0x3FB1]  }
0x2d: {  	s3 =	simm.s32 $0x108;
	s8 =	sld [smem:$0x3FB2]  }
0x2e: {  	s3 =	simm.s32 @!p0 $0x1082;
	s9 =	sld [smem:$0x3FB3]  }
0x2f: {  	lr =	sadd.s32 s0, s3;
	s0 =	sld [smem:$0x3FAA]  }
0x30: {  	s3 =	sld [smem:$0x3FAD]  }
0x31: {  	[smem:$0x3FB6] =	sst s10  }
0x32: {  	s10 =	sld [smem:$0x3FB4];
	_ =	sdelay $0x3  }
0x33: {  	p0 =	seq.s32 s10, $0x1;
	s10 =	sld [smem:$0x3FB6];
	_ =	sdelay $0x3  }
0x34: {  	[smem:$0x3FB6] =	sst s10  }
0x35: {  	s10 =	sld [smem:$0x3FB5];
	_ =	sdelay $0x3  }
0x36: {  	p1 =	seq.s32 s10, $0x1;
	s10 =	sld [smem:$0x3FB6];
	_ =	sdelay $0x3  }
0x37: {  	[smem:$0x3FB6] =	sst s10  }
0x38: {  	s10 =	sld [smem:$0x3FB7]  }
0x39: {  	_ = 	snop;
	(pc) =	sbr.ind lr, $3  }
0x3a: {  	_ = 	snop  }
0x3b: {  	_ = 	snop  }
0x3c: {  	p2 =	seq.s32 s10, $0x1;
	s10 =	sld [smem:$0x3FB6]  }
0x3d: {  	_ =	shalt  }
0x3e: {  	_ =	shalt  }
0x3f: {  	_ =	shalt  }
0x40: {  	_ =	shalt  }
0x41: {  	_ =	shalt  }
0x42: {  	_ =	shalt  }
0x43: {  	_ =	shalt  }
0x44: {  	_ =	shalt  }
0x45: {  	_ =	shalt  }
0x46: {  	_ =	shalt  }
0x47: {  	_ =	shalt  }
0x48: {  	_ =	shalt  }
0x49: {  	_ =	shalt  }
0x4a: {  	_ =	shalt  }
0x4b: {  	_ =	shalt  }
0x4c: {  	_ =	shalt  }
0x4d: {  	_ =	shalt  }
0x4e: {  	_ =	shalt  }
0x4f: {  	_ =	shalt  }
0x50: {  	_ =	shalt  }
0x51: {  	_ =	shalt  }
0x52: {  	_ =	shalt  }
0x53: {  	_ =	shalt  }
0x54: {  	_ =	shalt  }
0x55: {  	_ =	shalt  }
0x56: {  	_ =	shalt  }
0x57: {  	_ =	shalt  }
0x58: {  	_ =	shalt  }
0x59: {  	_ =	shalt  }
0x5a: {  	_ =	shalt  }
0x5b: {  	_ =	shalt  }
0x5c: {  	_ =	shalt  }
0x5d: {  	_ =	shalt  }
0x5e: {  	_ =	shalt  }
0x5f: {  	_ =	shalt  }
0x60: {  	_ =	shalt  }
0x61: {  	_ =	shalt  }
0x62: {  	_ =	shalt  }
0x63: {  	_ =	shalt  }
0x64: {  	_ =	shalt  }
0x65: {  	_ =	shalt  }
0x66: {  	_ =	shalt  }
0x67: {  	_ =	shalt  }
0x68: {  	_ =	shalt  }
0x69: {  	_ =	shalt  }
0x6a: {  	_ =	shalt  }
0x6b: {  	_ =	shalt  }
0x6c: {  	_ =	shalt  }
0x6d: {  	_ =	shalt  }
0x6e: {  	_ =	shalt  }
0x6f: {  	_ =	shalt  }
0x70: {  	_ =	shalt  }
0x71: {  	_ =	shalt  }
0x72: {  	_ =	shalt  }
0x73: {  	_ =	shalt  }
0x74: {  	_ =	shalt  }
0x75: {  	_ =	shalt  }
0x76: {  	_ =	shalt  }
0x77: {  	_ =	shalt  }
0x78: {  	_ =	shalt  }
0x79: {  	_ =	shalt  }
0x7a: {  	_ =	shalt  }
0x7b: {  	_ =	shalt  }
0x7c: {  	_ =	shalt  }
0x7d: {  	_ =	shalt  }
0x7e: {  	_ =	shalt  }
0x7f: {  	_ =	shalt  }
0x80: {  	_ =	shalt  }
0x81: {  	_ =	shalt  }
0x82: {  	_ =	shalt  }
0x83: {  	_ =	shalt  }
0x84: {  	_ =	shalt  }
0x85: {  	_ =	shalt  }
0x86: {  	_ =	shalt  }
0x87: {  	_ =	shalt  }
.Lfunc_end0:
.L_simem_size_0:
called_computation_lowered:
.L_overlay_start_0:
0x88: {  	s2 =	sld [smem:$0x3FD9]  }
0x89: {  	s3 =	sld [smem:$0x3FFE];
	_ =	sdelay $0x1  }
0x8a: {  	s1 =	srdreg.scid  }
0x8b: {  	s0 =	sand.u32 $0x1, s1  }
0x8c: {  	s14 =	sshll.u32 s0, $0xA;
	s2 =	sadd.s32 s3, s2  }
0x8d: {  	s2 =	sadd.s32 s2, s14  }
0x8e: {  	[smem:$0x3FC2] =	sst s2  }
0x8f: {  	_ = 	snop  }
0x90: {  	s2 =	sld [smem:$0x3FD0];
	_ =	sdelay $0x2  }
0x91: {  	s15 =	simm.s32 $0xA;
	s4 =	simm.s32 $0x10  }
0x92: {  	[smem:s4], [sflag:s15] =	dma.local [hbm:s2], $0x1  }
0x93: {  	_ =	swait.eq [sflag:s15], $0x1  }
0x94: {  	[sflag:s15] =	ssyncset.done $0x0  }
0x95: {  	[sflag:s15] =	ssyncadd.s32 $0xFFFFFFFF  }
0x96: {  	s16 =	sld [smem:$0x10];
	(tm) =	ssettm $0x1  }
0x97: {  	s17 =	sld [smem:$0x3FFB];
	_ =	sdelay $0x3  }
0x98: {  	_ =	strace s17  }
0x99: {  	s3 =	sld [smem:$0x3FFC];
	_ =	sdelay $0x3  }
0x9a: {  	_ =	strace s3  }
0x9b: {  	s3 =	sld [smem:$0x3FFD];
	_ =	sdelay $0x3  }
0x9c: {  	_ =	strace s3  }
0x9d: {  	_ =	strace $0x8FFFFFFF  }
0x9e: {  	s18 =	sld [smem:$0x3FDB];
	_ =	sdelay $0x1  }
0x9f: {  	s19 =	simm.s32 $_scs_section_size  }
0xa0: {  	s5 =	simm.s32 $_size__tile_overlayer_lowered;
	s6 =	simm.s32 $_tile_overlayer_lowered  }
0xa1: {  	s22 =	simm.s32 $0x1BFF;
	s21 =	sshll.u32 s6, $0x1;
	s3 =	sadd.s32 s19, s18  }
0xa2: {  	s7 =	simm.s32 $0x0;
	s20 =	sshll.u32 s5, $0x1;
	s5 =	sadd.s32 s21, s3  }
0xa3: {  	[timem:s7], [sflag:s22] =	dma.local [hbm:s5], s20  }
0xa4: {  	_ =	swait.ge [sflag:s22], s20  }
0xa5: {  	s4 =	ssub.s32 $0x0, s20;
	[sflag:s22] =	ssyncset.done $0x0  }
0xa6: {  	[sflag:s22] =	ssyncadd.s32 s4;
	_ =	sdelay $0x1  }
0xa7: {  	s23 =	simm.s32 $0x1B8B  }
0xa8: {  	_ =	swait.ge [sflag:s23], $0x1  }
0xa9: {  	[sflag:s23] =	ssyncset.done $0x0  }
0xaa: {  	s25 =	simm.s32 $0x1B8E;
	s24 =	sld [smem:$0x3FFE];
	[sflag:s23] =	ssyncadd.s32 $0xFFFFFFFF  }
0xab: {  	s26 =	simm.s32 $execute0_lowered;
	[smem:$0x3FD2] =	sst s25  }
0xac: {  	s5 =	sshll.u32 s26, $0x1;
	_ =	strace $0x80000046;
	[dreg:$0x1] =	wrdreg $0xFFFFFFFF  }
0xad: {  	s28 =	simm.s32 $_size_execute0_lowered;
	s3 =	sadd.s32 s3, s5;
	[dreg:$0x0] =	wrdreg $0x0  }
0xae: {  	s5 =	sshll.u32 s28, $0x1;
	[dreg:$0x2] =	wrdreg s3  }
0xaf: {  	[dreg:$0x3] =	wrdreg s5  }
0xb0: {  	[dreg:$0x4] =	wrdreg $0xC0  }
0xb1: {  	_ =	task [dreg:s7], $0x5FFFF  }
0xb2: {  	[dreg:$0x1] =	wrdreg $0xFFFFFFFF  }
0xb3: {  	[dreg:$0x0] =	wrdreg $0x60  }
0xb4: {  	[dreg:$0x2] =	wrdreg s16  }
0xb5: {  	[dreg:$0x3] =	wrdreg s24  }
0xb6: {  	[dreg:$0x4] =	wrdreg $0xB7800  }
0xb7: {  	[dreg:$0x5] =	wrdreg $0x9  }
0xb8: {  	_ =	task.clear_ibuf [dreg:s7], $0x6FFFF;
	_ =	strace $0x90000046  }
0xb9: {  	s29 =	simm.s32 $0x9;
	_ =	strace $0x80000048  }
0xba: {  	_ =	swait.ge [sflag:s29], $0x1  }
0xbb: {  	[sflag:s29] =	ssyncadd.s32 $0xFFFFFFFF  }
0xbc: {  	_ =	strace $0x90000048  }
0xbd: {  	_ =	sfence  }
0xbe: {  	s30 =	sld [smem:$0x0];
	_ =	sdelay $0x2  }
0xbf: {  	s31 =	sshll.u32 s1, $0xD;
	s1 =	sshrl.u32 s1, $0x2  }
0xc0: {  	s3 =	sand.u32 $0x4000, s31;
	s1 =	sadd.s32 s1, s30  }
0xc1: {  	s0 =	sor.u32 s3, s0;
	s1 =	sshll.u32 s1, $0x11  }
0xc2: {  	s0 =	sor.u32 s1, s0  }
0xc3: {  	s0 =	sadd.s32 $0x8F2B, s0  }
0xc4: {  	[sflag:s0] =	ssyncadd.remote.s32 $0x1  }
0xc5: {  	_ =	sfence.sel $0xFFFF  }
0xc6: {  	[dreg:$0x0] =	wrdreg $0xFFFFFFFF;
	(pc) =	sbr.abs _section_cstart, $3  }
0xc7: {  	[dreg:$0x1] =	wrdreg $0xFFFFFFFF  }
0xc8: {  	_ =	task.clear_ibuf [dreg:s7], $0x2FFFF;
	_ =	strace $0x9FFFFFFF  }
0xc9: {  	(tm) =	ssettm $0x7FFFFFFF  }
tec
execute0_lowered:
.L_overlay_start_1:
0x0: {  	(tag) =	ssettag $0x1  }
0x1: {  	s4 =	rddreg [dreg:$0x0]  }
0x2: {  	s5 =	rddreg [dreg:$0x1]  }
0x3: {  	s1 =	rddreg [dreg:$0x2];
	s2 =	srdreg.scid  }
0x4: {  	s0 =	rddreg [dreg:$0x3];
	s6 =	sand.u32 $0x1, s2  }
0x5: {  	s3 =	simm.s32 $0x0;
	s2 =	stileid.u32;
	s7 =	smul.u32 $0x27100, s6  }
0x6: {  	[smem:$0x7FF] =	sst s3;
	s8 =	smul.u32 $0x2710, s2  }
0x7: {  	s21 =	sadd.s32 $0xB400, s5;
	s25 =	ssub.s32 $0x2, s6;
	s26 =	smul.u32 $0x50000, s2  }
0x8: {  	_ =	strace $0x80000047;
	s13 =	smul.u32 $0x14000, s2;
	s9 =	sshrl.u32 s25, $0x1  }
0x9: {  	s19 =	smul.u32 $0x140000, s6;
	s7 =	sadd.s32 s8, s7;
	s9 =	ssub.s32 s25, s9  }
0xa: {  	s29 =	sshrl.u32 s26, $0x2;
	s14 =	sor.u32 $0x2800, s13;
	s16 =	sadd.s32 $0x5000, s13  }
0xb: {  	s17 =	sadd.s32 $0x7800, s13;
	s18 =	sadd.s32 $0xA000, s13;
	s20 =	sadd.s32 $0xC800, s13  }
0xc: {  	s22 =	sadd.s32 $0xF000, s13;
	s15 =	sadd.s32 s19, s13;
	s23 =	sadd.s32 $0x11800, s13  }
0xd: {  	s25 =	simm.s32 $0x4F80;
	s26 =	simm.s32 $0x0;
	s28 =	sshrl.u32 s7, $0x3  }
0xe: {  	s5 =	sadd.s32 s29, s1;
	s6 =	smax.u32 s9, $0x1;
	s7 =	sadd.s32 s14, s1  }
0xf: {  	s8 =	sadd.s32 s16, s1;
	s9 =	sadd.s32 s17, s1;
	s10 =	sadd.s32 s18, s1  }
0x10: {  	s11 =	sadd.s32 s20, s1;
	s12 =	sadd.s32 s22, s1;
	s15 =	sshrl.u32 s15, $0x3  }
0x11: {  	s24 =	sadd.s32 s19, s14;
	s13 =	sadd.s32 s23, s1;
	s16 =	sadd.s32 s19, s16  }
0x12: {  	s17 =	sadd.s32 s19, s17;
	s18 =	sadd.s32 s19, s18;
	s20 =	sadd.s32 s19, s20  }
0x13: {  	s22 =	sadd.s32 s19, s22;
	s23 =	sadd.s32 s19, s23;
	s4 =	sadd.s32 s4, s28  }
0x14: {  	s14 =	sadd.s32 s21, s15;
	s30 =	sshrl.u32 s24, $0x3;
	s16 =	sshrl.u32 s16, $0x3  }
0x15: {  	s17 =	sshrl.u32 s17, $0x3;
	s18 =	sshrl.u32 s18, $0x3;
	s20 =	sshrl.u32 s20, $0x3  }
0x16: {  	s22 =	sshrl.u32 s22, $0x3;
	s31 =	sshrl.u32 s23, $0x3;
	s23 =	simm.s32 $0x1  }
0x17: {  	s24 =	simm.s32 $0x80;
	s15 =	sadd.s32 s21, s30;
	s16 =	sadd.s32 s21, s16  }
0x18: {  	s17 =	sadd.s32 s21, s17;
	s18 =	sadd.s32 s21, s18;
	s19 =	sadd.s32 s21, s20  }
0x19: {  	v0 =	vimm.f32 $0.0e+00;
	v1 =	vimm.f32 $1.000000000e+00;
	v2 =	vimm.s32 $0x2710;
	s20 =	sadd.s32 s21, s22;
	s21 =	sadd.s32 s21, s31;
	s22 =	simm.s32 $0x8F80  }
.LBB2_1:
0x1a: {  	s28 =	simm.s32 $0x70;
	s29 =	simm.s32 $0x3C0  }
.LBB2_2:
0x1b: {  	p0 =	sne.s32 s29, $0x9FC0;
	[tilespmem:s28+$0x8F80] =	vst v0  }
0x1c: {  	[tilespmem:s28+$0x8F10] =	vst v0  }
0x1d: {  	[tilespmem:s28+$0x8F20] =	vst v0  }
.Ltmp0:
0x1e: {  	[tilespmem:s28+$0x8F30] =	vst v0;
	(pc) =	sbr.rel @p0 .LBB2_2-.Ltmp0, $4  }
0x1f: {  	[tilespmem:s28+$0x8F40] =	vst v0  }
0x20: {  	[tilespmem:s28+$0x8F50] =	vst v0  }
0x21: {  	[tilespmem:s28+$0x8F60] =	vst v0  }
0x22: {  	[tilespmem:s28+$0x8F70] =	vst v0;
	s28 =	sshra.s32 s29, $0x2;
	s29 =	sadd.s32 $0x200, s29  }
0x23: {  	[tilespmem:s28+$0x8F80] =	vst v0  }
0x24: {  	[tilespmem:s28+$0x8F10] =	vst v0  }
0x25: {  	[tilespmem:s28+$0x8F20] =	vst v0  }
0x26: {  	[tilespmem:s28+$0x8F30] =	vst v0  }
0x27: {  	[tilespmem:s28+$0x8F40] =	vst v0  }
0x28: {  	[tilespmem:s28+$0x8F50] =	vst v0  }
0x29: {  	[tilespmem:s28+$0x8F60] =	vst v0  }
0x2a: {  	[tilespmem:s28+$0x8F70] =	vst v0  }
0x2b: {  	[spmem:s5] =	stream.linear.scatter [tilespmem:s22], [sflag:$0x1], $0x2800, $0x38;
	[tilespmem:$0x1F780] =	vst v63  }
0x2c: {  	_ =	swait.ge [sflag:s23], $0x2800  }
0x2d: {  	[sflag:s23] =	ssyncset.done $0x0  }
0x2e: {  	[sflag:s23] =	ssyncadd.s32 $0xFFFFD800  }
0x2f: {  	[spmem:s7] =	stream.linear.scatter [tilespmem:s22], [sflag:$0x1], $0x2800, $0x38;
	[tilespmem:$0x1F780] =	vst v63  }
0x30: {  	_ =	swait.ge [sflag:s23], $0x2800  }
0x31: {  	[sflag:s23] =	ssyncset.done $0x0  }
0x32: {  	[sflag:s23] =	ssyncadd.s32 $0xFFFFD800  }
0x33: {  	[spmem:s8] =	stream.linear.scatter [tilespmem:s22], [sflag:$0x1], $0x2800, $0x38;
	[tilespmem:$0x1F780] =	vst v63  }
0x34: {  	_ =	swait.ge [sflag:s23], $0x2800  }
0x35: {  	[sflag:s23] =	ssyncset.done $0x0  }
0x36: {  	[sflag:s23] =	ssyncadd.s32 $0xFFFFD800  }
0x37: {  	[spmem:s9] =	stream.linear.scatter [tilespmem:s22], [sflag:$0x1], $0x2800, $0x38;
	[tilespmem:$0x1F780] =	vst v63  }
0x38: {  	_ =	swait.ge [sflag:s23], $0x2800  }
0x39: {  	[sflag:s23] =	ssyncset.done $0x0  }
0x3a: {  	[sflag:s23] =	ssyncadd.s32 $0xFFFFD800  }
0x3b: {  	[spmem:s10] =	stream.linear.scatter [tilespmem:s22], [sflag:$0x1], $0x2800, $0x38;
	[tilespmem:$0x1F780] =	vst v63  }
0x3c: {  	_ =	swait.ge [sflag:s23], $0x2800  }
0x3d: {  	[sflag:s23] =	ssyncset.done $0x0  }
0x3e: {  	[sflag:s23] =	ssyncadd.s32 $0xFFFFD800  }
0x3f: {  	[spmem:s11] =	stream.linear.scatter [tilespmem:s22], [sflag:$0x1], $0x2800, $0x38;
	[tilespmem:$0x1F780] =	vst v63  }
0x40: {  	_ =	swait.ge [sflag:s23], $0x2800  }
0x41: {  	[sflag:s23] =	ssyncset.done $0x0  }
0x42: {  	[sflag:s23] =	ssyncadd.s32 $0xFFFFD800  }
0x43: {  	[spmem:s12] =	stream.linear.scatter [tilespmem:s22], [sflag:$0x1], $0x2800, $0x38;
	[tilespmem:$0x1F780] =	vst v63  }
0x44: {  	_ =	swait.ge [sflag:s23], $0x2800  }
0x45: {  	[sflag:s23] =	ssyncset.done $0x0  }
0x46: {  	[sflag:s23] =	ssyncadd.s32 $0xFFFFD800  }
0x47: {  	[spmem:s13] =	stream.linear.scatter [tilespmem:s22], [sflag:$0x1], $0x2800, $0x38;
	[tilespmem:$0x1F780] =	vst v63  }
0x48: {  	_ =	swait.ge [sflag:s23], $0x2800  }
0x49: {  	[sflag:s23] =	ssyncset.done $0x0  }
0x4a: {  	[sflag:s23] =	ssyncadd.s32 $0xFFFFD800  }
0x4b: {  	s28 =	simm.s32 $0x0;
	s29 =	simm.s32 $0x200;
	[bflag:$0x0] =	sbarrier.arrive $0xFFFF  }
.LBB2_4:
0x4c: {  	p0 =	sne.s32 s29, $0xFE00;
	[tilespmem:s28+$0x4FF0] =	vst v1  }
0x4d: {  	[tilespmem:s28+$0x4F80] =	vst v1  }
0x4e: {  	[tilespmem:s28+$0x4F90] =	vst v1  }
.Ltmp1:
0x4f: {  	[tilespmem:s28+$0x4FA0] =	vst v1;
	(pc) =	sbr.rel @p0 .LBB2_4-.Ltmp1, $4  }
0x50: {  	[tilespmem:s28+$0x4FB0] =	vst v1  }
0x51: {  	[tilespmem:s28+$0x4FC0] =	vst v1  }
0x52: {  	[tilespmem:s28+$0x4FD0] =	vst v1  }
0x53: {  	[tilespmem:s28+$0x4FE0] =	vst v1;
	s28 =	sshra.s32 s29, $0x2;
	s29 =	sadd.s32 $0x200, s29  }
0x54: {  	[tilespmem:s28+$0x4FF0] =	vst v1  }
0x55: {  	[tilespmem:s28+$0x4F80] =	vst v1  }
0x56: {  	[tilespmem:s28+$0x4F90] =	vst v1  }
0x57: {  	[tilespmem:s28+$0x4FA0] =	vst v1  }
0x58: {  	[tilespmem:s28+$0x4FB0] =	vst v1  }
0x59: {  	[tilespmem:s28+$0x4FC0] =	vst v1  }
0x5a: {  	[tilespmem:s28+$0x4FD0] =	vst v1  }
0x5b: {  	[tilespmem:s28+$0x4FE0] =	vst v1  }
0x5c: {  	[tilespmem:$0x2710] =	vst v2  }
0x5d: {  	[tilespmem:$0x2720] =	vst v2  }
0x5e: {  	[tilespmem:$0x2730] =	vst v2  }
0x5f: {  	[tilespmem:$0x2740] =	vst v2  }
0x60: {  	[tilespmem:$0x2750] =	vst v2  }
0x61: {  	[tilespmem:$0x2760] =	vst v2  }
0x62: {  	s28 =	simm.s32 $0x0;
	[tilespmem:$0x2770] =	vst v2  }
0x63: {  	[tilespmem:s28], [sflag:$0x1] =	stream.linear.gather [hbm4b:s4+s28], $0x2710, $0x38;
	[tilespmem:$0x1F780] =	vst v63  }
0x64: {  	_ =	swait.ge [sflag:s23], $0x2710  }
0x65: {  	[sflag:s23] =	ssyncset.done $0x0  }
0x66: {  	s29 =	simm.s32 $0x0;
	[sflag:s23] =	ssyncadd.s32 $0xFFFFD8F0  }
0x67: {  	v6 =	vld [tilespmem:s29+$0x70]  }
0x68: {  	v7 =	vld [tilespmem:s29+$0x0]  }
0x69: {  	v8 =	vld [tilespmem:s29+$0x10]  }
0x6a: {  	v5 =	vld [tilespmem:s29+$0x20]  }
0x6b: {  	v3 =	vld [tilespmem:s29+$0x30]  }
0x6c: {  	v4 =	vld [tilespmem:s29+$0x40];
	[tilespmem:s29+$0x27F0] =	vst v6  }
0x6d: {  	[tilespmem:s29+$0x2780] =	vst v7;
	v6 =	vld [tilespmem:s29+$0x50]  }
0x6e: {  	s30 =	simm.s32 $0x80;
	s31 =	simm.s32 $0x400;
	s28 =	simm.s32 $0x200;
	[tilespmem:s29+$0x2790] =	vst v8;
	v7 =	vld [tilespmem:s29+$0x60]  }
.LBB2_6:
0x6f: {  	p0 =	sne.s32 s31, $0x9C00;
	v8 =	vld [tilespmem:s30+$0x70];
	[tilespmem:s29+$0x27A0] =	vst v5  }
0x70: {  	v9 =	vld [tilespmem:s30+$0x0];
	[tilespmem:s29+$0x27B0] =	vst v3  }
0x71: {  	v10 =	vld [tilespmem:s30+$0x10];
	[tilespmem:s29+$0x27C0] =	vst v4  }
.Ltmp2:
0x72: {  	v5 =	vld [tilespmem:s30+$0x20];
	[tilespmem:s29+$0x27D0] =	vst v6;
	(pc) =	sbr.rel @p0 .LBB2_6-.Ltmp2, $4  }
0x73: {  	v3 =	vld [tilespmem:s30+$0x30];
	[tilespmem:s29+$0x27E0] =	vst v7;
	s29 =	smov.u32 s30  }
0x74: {  	v4 =	vld [tilespmem:s29+$0x40];
	[tilespmem:s29+$0x27F0] =	vst v8  }
0x75: {  	[tilespmem:s29+$0x2780] =	vst v9;
	v6 =	vld [tilespmem:s29+$0x50]  }
0x76: {  	s30 =	sshra.s32 s31, $0x2;
	s31 =	sadd.s32 $0x200, s31;
	[tilespmem:s29+$0x2790] =	vst v10;
	v7 =	vld [tilespmem:s29+$0x60]  }
0x77: {  	v8 =	vld [tilespmem:s30+$0x70];
	[tilespmem:s29+$0x27A0] =	vst v5  }
0x78: {  	v5 =	vld [tilespmem:s30+$0x0];
	[tilespmem:s29+$0x27B0] =	vst v3  }
0x79: {  	v3 =	vld [tilespmem:s30+$0x10];
	[tilespmem:s29+$0x27C0] =	vst v4  }
0x7a: {  	v4 =	vld [tilespmem:s30+$0x20];
	[tilespmem:s29+$0x27D0] =	vst v6  }
0x7b: {  	v6 =	vld [tilespmem:s30+$0x30];
	[tilespmem:s29+$0x27E0] =	vst v7  }
0x7c: {  	v7 =	vld [tilespmem:s30+$0x40];
	[tilespmem:s30+$0x27F0] =	vst v8  }
0x7d: {  	v63 =	vld [tilespmem:s30+$0x50];
	[tilespmem:s30+$0x2780] =	vst v5  }
0x7e: {  	[tilespmem:s30+$0x2790] =	vst v3;
	v3 =	vld [tilespmem:s30+$0x60]  }
0x7f: {  	[tilespmem:s30+$0x27A0] =	vst v4  }
0x80: {  	[tilespmem:s30+$0x27B0] =	vst v6  }
0x81: {  	[tilespmem:s30+$0x27C0] =	vst v7  }
0x82: {  	[tilespmem:s30+$0x27D0] =	vst v63  }
0x83: {  	s31 =	simm.s32 $0x2780;
	[tilespmem:s30+$0x27E0] =	vst v3  }
0x84: {  	[spmem:s1] =	stream.indirect.scatter.add.f32 [tilespmem:s25], [sflag:$0x1], $0x80, s31, s24, $0xb8;
	[tilespmem:$0x1F780] =	vst v63  }
0x85: {  	_ =	swait.ge [sflag:s23], $0x4000  }
.LBB2_8:
0x86: {  	s29 =	sshra.s32 s28, $0x2;
	[sflag:s23] =	ssyncset.done $0x0;
	p0 =	sne.s32 s28, $0x9C00  }
.Ltmp3:
0x87: {  	s29 =	sadd.s32 $0x2780, s29;
	[sflag:s23] =	ssyncadd.s32 $0xFFFFC000;
	(pc) =	sbr.rel @p0 .LBB2_8-.Ltmp3, $3  }
0x88: {  	[spmem:s1] =	stream.indirect.scatter.add.f32 [tilespmem:s25], [sflag:$0x1], $0x80, s29, s24, $0xb8;
	[tilespmem:$0x1F780] =	vst v63  }
0x89: {  	s28 =	sadd.s32 $0x200, s28;
	_ =	sdelay $0x1  }
0x8a: {  	_ =	swait.ge [sflag:s23], $0x4000  }
0x8b: {  	[sflag:s23] =	ssyncset.done $0x0  }
0x8c: {  	[sflag:s23] =	ssyncadd.s32 $0xFFFFC000  }
0x8d: {  	[bflag:$0x0] =	sbarrier.arrive $0xFFFF  }
0x8e: {  	[tilespmem:s22], [sflag:$0x1] =	stream.linear.gather [spmem:s5], $0x2800, $0x38;
	[tilespmem:$0x1F780] =	vst v63  }
0x8f: {  	_ =	swait.ge [sflag:s23], $0x2800  }
0x90: {  	[sflag:s23] =	ssyncset.done $0x0  }
0x91: {  	[sflag:s23] =	ssyncadd.s32 $0xFFFFD800  }
0x92: {  	[hbm4b:s14+s3] =	stream.linear.scatter [tilespmem:s22], [sflag:$0x1], $0x2800, $0x38;
	[tilespmem:$0x1F780] =	vst v63  }
0x93: {  	_ =	swait.ge [sflag:s23], $0x2800  }
0x94: {  	[sflag:s23] =	ssyncset.done $0x0  }
0x95: {  	[sflag:s23] =	ssyncadd.s32 $0xFFFFD800  }
0x96: {  	[tilespmem:s22], [sflag:$0x1] =	stream.linear.gather [spmem:s7], $0x2800, $0x38;
	[tilespmem:$0x1F780] =	vst v63  }
0x97: {  	_ =	swait.ge [sflag:s23], $0x2800  }
0x98: {  	[sflag:s23] =	ssyncset.done $0x0  }
0x99: {  	[sflag:s23] =	ssyncadd.s32 $0xFFFFD800  }
0x9a: {  	[hbm4b:s15+s3] =	stream.linear.scatter [tilespmem:s22], [sflag:$0x1], $0x2800, $0x38;
	[tilespmem:$0x1F780] =	vst v63  }
0x9b: {  	_ =	swait.ge [sflag:s23], $0x2800  }
0x9c: {  	[sflag:s23] =	ssyncset.done $0x0  }
0x9d: {  	[sflag:s23] =	ssyncadd.s32 $0xFFFFD800  }
0x9e: {  	[tilespmem:s22], [sflag:$0x1] =	stream.linear.gather [spmem:s8], $0x2800, $0x38;
	[tilespmem:$0x1F780] =	vst v63  }
0x9f: {  	_ =	swait.ge [sflag:s23], $0x2800  }
0xa0: {  	[sflag:s23] =	ssyncset.done $0x0  }
0xa1: {  	[sflag:s23] =	ssyncadd.s32 $0xFFFFD800  }
0xa2: {  	[hbm4b:s16+s3] =	stream.linear.scatter [tilespmem:s22], [sflag:$0x1], $0x2800, $0x38;
	[tilespmem:$0x1F780] =	vst v63  }
0xa3: {  	_ =	swait.ge [sflag:s23], $0x2800  }
0xa4: {  	[sflag:s23] =	ssyncset.done $0x0  }
0xa5: {  	[sflag:s23] =	ssyncadd.s32 $0xFFFFD800  }
0xa6: {  	[tilespmem:s22], [sflag:$0x1] =	stream.linear.gather [spmem:s9], $0x2800, $0x38;
	[tilespmem:$0x1F780] =	vst v63  }
0xa7: {  	_ =	swait.ge [sflag:s23], $0x2800  }
0xa8: {  	[sflag:s23] =	ssyncset.done $0x0  }
0xa9: {  	[sflag:s23] =	ssyncadd.s32 $0xFFFFD800  }
0xaa: {  	[hbm4b:s17+s3] =	stream.linear.scatter [tilespmem:s22], [sflag:$0x1], $0x2800, $0x38;
	[tilespmem:$0x1F780] =	vst v63  }
0xab: {  	_ =	swait.ge [sflag:s23], $0x2800  }
0xac: {  	[sflag:s23] =	ssyncset.done $0x0  }
0xad: {  	[sflag:s23] =	ssyncadd.s32 $0xFFFFD800  }
0xae: {  	[tilespmem:s22], [sflag:$0x1] =	stream.linear.gather [spmem:s10], $0x2800, $0x38;
	[tilespmem:$0x1F780] =	vst v63  }
0xaf: {  	_ =	swait.ge [sflag:s23], $0x2800  }
0xb0: {  	[sflag:s23] =	ssyncset.done $0x0  }
0xb1: {  	[sflag:s23] =	ssyncadd.s32 $0xFFFFD800  }
0xb2: {  	[hbm4b:s18+s3] =	stream.linear.scatter [tilespmem:s22], [sflag:$0x1], $0x2800, $0x38;
	[tilespmem:$0x1F780] =	vst v63  }
0xb3: {  	_ =	swait.ge [sflag:s23], $0x2800  }
0xb4: {  	[sflag:s23] =	ssyncset.done $0x0  }
0xb5: {  	[sflag:s23] =	ssyncadd.s32 $0xFFFFD800  }
0xb6: {  	[tilespmem:s22], [sflag:$0x1] =	stream.linear.gather [spmem:s11], $0x2800, $0x38;
	[tilespmem:$0x1F780] =	vst v63  }
0xb7: {  	_ =	swait.ge [sflag:s23], $0x2800  }
0xb8: {  	[sflag:s23] =	ssyncset.done $0x0  }
0xb9: {  	[sflag:s23] =	ssyncadd.s32 $0xFFFFD800  }
0xba: {  	[hbm4b:s19+s3] =	stream.linear.scatter [tilespmem:s22], [sflag:$0x1], $0x2800, $0x38;
	[tilespmem:$0x1F780] =	vst v63  }
0xbb: {  	_ =	swait.ge [sflag:s23], $0x2800  }
0xbc: {  	[sflag:s23] =	ssyncset.done $0x0  }
0xbd: {  	[sflag:s23] =	ssyncadd.s32 $0xFFFFD800  }
0xbe: {  	[tilespmem:s22], [sflag:$0x1] =	stream.linear.gather [spmem:s12], $0x2800, $0x38;
	[tilespmem:$0x1F780] =	vst v63  }
0xbf: {  	_ =	swait.ge [sflag:s23], $0x2800  }
0xc0: {  	[sflag:s23] =	ssyncset.done $0x0  }
0xc1: {  	[sflag:s23] =	ssyncadd.s32 $0xFFFFD800  }
0xc2: {  	[hbm4b:s20+s3] =	stream.linear.scatter [tilespmem:s22], [sflag:$0x1], $0x2800, $0x38;
	[tilespmem:$0x1F780] =	vst v63  }
0xc3: {  	_ =	swait.ge [sflag:s23], $0x2800  }
0xc4: {  	[sflag:s23] =	ssyncset.done $0x0  }
0xc5: {  	[sflag:s23] =	ssyncadd.s32 $0xFFFFD800  }
0xc6: {  	[tilespmem:s22], [sflag:$0x1] =	stream.linear.gather [spmem:s13], $0x2800, $0x38;
	[tilespmem:$0x1F780] =	vst v63  }
0xc7: {  	s26 =	sadd.s32 $0x1, s26;
	_ =	swait.ge [sflag:s23], $0x2800  }
0xc8: {  	p0 =	sne.s32 s26, s6;
	[sflag:s23] =	ssyncset.done $0x0  }
.Ltmp4:
0xc9: {  	[sflag:s23] =	ssyncadd.s32 $0xFFFFD800;
	(pc) =	sbr.rel @p0 .LBB2_1-.Ltmp4, $4  }
0xca: {  	[hbm4b:s21+s3] =	stream.linear.scatter [tilespmem:s22], [sflag:$0x1], $0x2800, $0x38;
	[tilespmem:$0x1F780] =	vst v63  }
0xcb: {  	_ =	swait.ge [sflag:s23], $0x2800  }
0xcc: {  	[sflag:s23] =	ssyncset.done $0x0  }
0xcd: {  	[sflag:s23] =	ssyncadd.s32 $0xFFFFD800  }
0xce: {  	_ =	sfence.sel $0x180000  }
0xcf: {  	[bflag:$0x0] =	sbarrier.arrive $0xFFFF  }
0xd0: {  	p0 =	sne.s32 s2, $0x0;
	_ =	strace $0x90000047  }
0xd1: {  	s0 =	sadd.s32 @!p0 $0x100000, s0;
	[bflag:$0x2] =	sbarrier.arrive $0xFFFF  }
0xd2: {  	[sflag:s0] =	ssyncadd.tile.s32 @!p0 $0x1;
	_ =	shalt  }
.Lfunc_end2:
_tile_overlayer_lowered:
.L_overlay_start_2:
0xd3: {  	(tag) =	ssettag $0x2  }
0xd4: {  	s0 =	rddreg [dreg:$0x0];
	s2 =	stileid.u32  }
0xd5: {  	s1 =	rddreg [dreg:$0x1];
	p0 =	sne.s32 s2, $0x0  }
0xd6: {  	s3 =	rddreg [dreg:$0x2];
	[bflag:$0x3] =	sbarrier.arrive $0xFFFF;
	s2 =	simm.s32 @!p0 $0x1C01  }
0xd7: {  	[timem:s3], [sflag:s2] =	dma.local @!p0 [hbm:s0], s1  }
0xd8: {  	s0 =	simm.s32 @!p0 $0x1  }
0xd9: {  	_ =	swait.ge @!p0 [sflag:s0], s1  }
0xda: {  	s1 =	ssub.s32 @!p0 $0x0, s1;
	[sflag:s0] =	ssyncset.done @!p0 $0x0  }
0xdb: {  	[sflag:s0] =	ssyncadd.s32 @!p0 s1  }
0xdc: {  	[bflag:$0x3] =	sbarrier.arrive $0xFFFF  }
0xdd: {  	_ =	shalt  }

// kernel: kernel.9.cloned.1.call-start
scs
__scs_entry_jumppad:
0x0: {  	(pc) =	sbr.rel $0x88, $3  }
0x1: {  	(tag) =	ssettag $0x0;
	lr =	simm.s32 $0x1  }
0x2: {  	[smem:$0x3F9B] =	sst lr;
	_ =	strace $0xD0000000  }
0x3: {  	_ = 	snop  }
0x4: {  	_ = 	snop  }
0x5: {  	_ = 	snop  }
0x6: {  	_ = 	snop  }
0x7: {  	_ = 	snop  }
__scs_overlays_trampoline_lowered:
0x8: {  	[smem:$0x3FAA] =	sst s0  }
0x9: {  	[smem:$0x3FAB] =	sst s1  }
0xa: {  	[smem:$0x3FAC] =	sst s2  }
0xb: {  	[smem:$0x3FAD] =	sst s3  }
0xc: {  	[smem:$0x3FAE] =	sst s4  }
0xd: {  	[smem:$0x3FAF] =	sst s5  }
0xe: {  	[smem:$0x3FB0] =	sst s6  }
0xf: {  	[smem:$0x3FB1] =	sst s7  }
0x10: {  	[smem:$0x3FB2] =	sst s8  }
0x11: {  	[smem:$0x3FB3] =	sst s9;
	s0 =	simm.s32 @!p0 $0x0  }
0x12: {  	s1 =	sld [smem:$0x3F99];
	s0 =	simm.s32 @p0 $0x1  }
0x13: {  	[smem:$0x3FB4] =	sst s0;
	s0 =	simm.s32 @!p1 $0x0  }
0x14: {  	s2 =	sld [smem:$0x3F98];
	s0 =	simm.s32 @p1 $0x1  }
0x15: {  	[smem:$0x3FB5] =	sst s0;
	s0 =	simm.s32 @!p2 $0x0  }
0x16: {  	s3 =	sld [smem:$0x3FDB];
	s0 =	simm.s32 @p2 $0x1  }
0x17: {  	s4 =	simm.s32 $0x1BF5;
	[smem:$0x3FB7] =	sst s0  }
0x18: {  	s0 =	sld [smem:$0x3F9A];
	_ =	swait.ge [sflag:s4], $0x0  }
0x19: {  	s7 =	sld [smem:$0x3F9B]  }
0x1a: {  	s8 =	sadd.s32 $0xFFFFE003, lr  }
0x1b: {  	s9 =	sadd.s32 $0xFFFFFEF7, lr;
	s5 =	simm.s32 $0xFFFFFFFF;
	p2 =	slt.u32 s8, $0xFFFFF086  }
0x1c: {  	p1 =	slt.u32 s9, $0xF7A;
	s5 =	simm.s32 @!p2 $0x0  }
0x1d: {  	s5 =	simm.s32 @p1 $0x1;
	p0 =	seq.s32 s7, s2  }
0x1e: {  	s7 =	smul.u32 @!p0 $0xF7A, s2;
	p2 =	seq.s32 @!p0 s5, $0x0  }
0x1f: {  	s9 =	smul.u32 $0xF7A, s1;
	s8 =	simm.s32 @!p0 $0x1BF5;
	p2 =	por !p2, p0  }
0x20: {  	[sflag:s8] =	ssyncset.s32 @!p0 $0xFFFFF086;
	s6 =	sadd.s32 @!p0 s3, s7;
	s7 =	simm.s32 @!p0 $0x108  }
0x21: {  	s3 =	sadd.s32 s3, s9;
	s6 =	sadd.s32 @!p0 $0x88, s6;
	s7 =	simm.s32 @p2 $0x1082  }
0x22: {  	[simem:s7], [sflag:s8] =	dma.local @!p0 [hbm:s6], $0xF7A  }
0x23: {  	s9 =	sor.u32 $0xD0000000, s2;
	s6 =	simm.s32 $0x108;
	_ =	swait.ge @!p0 [sflag:s8], $0x0  }
0x24: {  	s3 =	sadd.s32 $0x88, s3;
	s6 =	simm.s32 @!p1 $0x1082;
	[sflag:s4] =	ssyncset.s32 $0xFFFFF086  }
0x25: {  	[simem:s6], [sflag:s4] =	dma.local [hbm:s3], $0xF7A  }
0x26: {  	[smem:$0x3F9B] =	sst s1;
	(tag) =	ssettag s2;
	_ =	strace s9  }
0x27: {  	s1 =	sld [smem:$0x3FAB]  }
0x28: {  	s2 =	sld [smem:$0x3FAC]  }
0x29: {  	s4 =	sld [smem:$0x3FAE]  }
0x2a: {  	p0 =	seq.s32 s5, $0x0;
	s5 =	sld [smem:$0x3FAF]  }
0x2b: {  	s6 =	sld [smem:$0x3FB0]  }
0x2c: {  	s7 =	sld [smem:$0x3FB1]  }
0x2d: {  	s3 =	simm.s32 $0x108;
	s8 =	sld [smem:$0x3FB2]  }
0x2e: {  	s3 =	simm.s32 @!p0 $0x1082;
	s9 =	sld [smem:$0x3FB3]  }
0x2f: {  	lr =	sadd.s32 s0, s3;
	s0 =	sld [smem:$0x3FAA]  }
0x30: {  	s3 =	sld [smem:$0x3FAD]  }
0x31: {  	[smem:$0x3FB6] =	sst s10  }
0x32: {  	s10 =	sld [smem:$0x3FB4];
	_ =	sdelay $0x3  }
0x33: {  	p0 =	seq.s32 s10, $0x1;
	s10 =	sld [smem:$0x3FB6];
	_ =	sdelay $0x3  }
0x34: {  	[smem:$0x3FB6] =	sst s10  }
0x35: {  	s10 =	sld [smem:$0x3FB5];
	_ =	sdelay $0x3  }
0x36: {  	p1 =	seq.s32 s10, $0x1;
	s10 =	sld [smem:$0x3FB6];
	_ =	sdelay $0x3  }
0x37: {  	[smem:$0x3FB6] =	sst s10  }
0x38: {  	s10 =	sld [smem:$0x3FB7]  }
0x39: {  	_ = 	snop;
	(pc) =	sbr.ind lr, $3  }
0x3a: {  	_ = 	snop  }
0x3b: {  	_ = 	snop  }
0x3c: {  	p2 =	seq.s32 s10, $0x1;
	s10 =	sld [smem:$0x3FB6]  }
0x3d: {  	_ =	shalt  }
0x3e: {  	_ =	shalt  }
0x3f: {  	_ =	shalt  }
0x40: {  	_ =	shalt  }
0x41: {  	_ =	shalt  }
0x42: {  	_ =	shalt  }
0x43: {  	_ =	shalt  }
0x44: {  	_ =	shalt  }
0x45: {  	_ =	shalt  }
0x46: {  	_ =	shalt  }
0x47: {  	_ =	shalt  }
0x48: {  	_ =	shalt  }
0x49: {  	_ =	shalt  }
0x4a: {  	_ =	shalt  }
0x4b: {  	_ =	shalt  }
0x4c: {  	_ =	shalt  }
0x4d: {  	_ =	shalt  }
0x4e: {  	_ =	shalt  }
0x4f: {  	_ =	shalt  }
0x50: {  	_ =	shalt  }
0x51: {  	_ =	shalt  }
0x52: {  	_ =	shalt  }
0x53: {  	_ =	shalt  }
0x54: {  	_ =	shalt  }
0x55: {  	_ =	shalt  }
0x56: {  	_ =	shalt  }
0x57: {  	_ =	shalt  }
0x58: {  	_ =	shalt  }
0x59: {  	_ =	shalt  }
0x5a: {  	_ =	shalt  }
0x5b: {  	_ =	shalt  }
0x5c: {  	_ =	shalt  }
0x5d: {  	_ =	shalt  }
0x5e: {  	_ =	shalt  }
0x5f: {  	_ =	shalt  }
0x60: {  	_ =	shalt  }
0x61: {  	_ =	shalt  }
0x62: {  	_ =	shalt  }
0x63: {  	_ =	shalt  }
0x64: {  	_ =	shalt  }
0x65: {  	_ =	shalt  }
0x66: {  	_ =	shalt  }
0x67: {  	_ =	shalt  }
0x68: {  	_ =	shalt  }
0x69: {  	_ =	shalt  }
0x6a: {  	_ =	shalt  }
0x6b: {  	_ =	shalt  }
0x6c: {  	_ =	shalt  }
0x6d: {  	_ =	shalt  }
0x6e: {  	_ =	shalt  }
0x6f: {  	_ =	shalt  }
0x70: {  	_ =	shalt  }
0x71: {  	_ =	shalt  }
0x72: {  	_ =	shalt  }
0x73: {  	_ =	shalt  }
0x74: {  	_ =	shalt  }
0x75: {  	_ =	shalt  }
0x76: {  	_ =	shalt  }
0x77: {  	_ =	shalt  }
0x78: {  	_ =	shalt  }
0x79: {  	_ =	shalt  }
0x7a: {  	_ =	shalt  }
0x7b: {  	_ =	shalt  }
0x7c: {  	_ =	shalt  }
0x7d: {  	_ =	shalt  }
0x7e: {  	_ =	shalt  }
0x7f: {  	_ =	shalt  }
0x80: {  	_ =	shalt  }
0x81: {  	_ =	shalt  }
0x82: {  	_ =	shalt  }
0x83: {  	_ =	shalt  }
0x84: {  	_ =	shalt  }
0x85: {  	_ =	shalt  }
0x86: {  	_ =	shalt  }
0x87: {  	_ =	shalt  }
.Lfunc_end0:
.L_simem_size_0:
called_computation.1_lowered:
.L_overlay_start_0:
0x88: {  	s2 =	sld [smem:$0x3FD9]  }
0x89: {  	s3 =	sld [smem:$0x3FFE];
	_ =	sdelay $0x1  }
0x8a: {  	s1 =	srdreg.scid  }
0x8b: {  	s0 =	sand.u32 $0x1, s1  }
0x8c: {  	s14 =	sshll.u32 s0, $0xA;
	s2 =	sadd.s32 s3, s2  }
0x8d: {  	s2 =	sadd.s32 s2, s14  }
0x8e: {  	[smem:$0x3FC2] =	sst s2  }
0x8f: {  	_ = 	snop  }
0x90: {  	s2 =	sld [smem:$0x3FD0];
	_ =	sdelay $0x2  }
0x91: {  	s15 =	simm.s32 $0xA;
	s4 =	simm.s32 $0x10  }
0x92: {  	[smem:s4], [sflag:s15] =	dma.local [hbm:s2], $0x1  }
0x93: {  	_ =	swait.eq [sflag:s15], $0x1  }
0x94: {  	[sflag:s15] =	ssyncset.done $0x0  }
0x95: {  	s16 =	sld [smem:$0x10];
	[sflag:s15] =	ssyncadd.s32 $0xFFFFFFFF  }
0x96: {  	s17 =	sld [smem:$0x11];
	(tm) =	ssettm $0x1  }
0x97: {  	s18 =	sld [smem:$0x3FFB];
	_ =	sdelay $0x3  }
0x98: {  	_ =	strace s18  }
0x99: {  	s4 =	sld [smem:$0x3FFC];
	_ =	sdelay $0x3  }
0x9a: {  	_ =	strace s4  }
0x9b: {  	s4 =	sld [smem:$0x3FFD];
	_ =	sdelay $0x3  }
0x9c: {  	_ =	strace s4  }
0x9d: {  	_ =	strace $0x8FFFFFFF  }
0x9e: {  	s19 =	sld [smem:$0x3FDB];
	_ =	sdelay $0x1  }
0x9f: {  	s5 =	simm.s32 $_scs_section_size  }
0xa0: {  	s6 =	simm.s32 $_size__tile_overlayer_lowered;
	s7 =	simm.s32 $_tile_overlayer_lowered  }
0xa1: {  	s22 =	simm.s32 $0x1BFF;
	s21 =	sshll.u32 s7, $0x1;
	s4 =	sadd.s32 s5, s19  }
0xa2: {  	s8 =	simm.s32 $0x0;
	s20 =	sshll.u32 s6, $0x1;
	s6 =	sadd.s32 s21, s4  }
0xa3: {  	[timem:s8], [sflag:s22] =	dma.local [hbm:s6], s20  }
0xa4: {  	_ =	swait.ge [sflag:s22], s20  }
0xa5: {  	s5 =	ssub.s32 $0x0, s20;
	[sflag:s22] =	ssyncset.done $0x0  }
0xa6: {  	[sflag:s22] =	ssyncadd.s32 s5;
	_ =	sdelay $0x1  }
0xa7: {  	s23 =	simm.s32 $0x1B8B  }
0xa8: {  	_ =	swait.ge [sflag:s23], $0x1  }
0xa9: {  	[sflag:s23] =	ssyncset.done $0x0  }
0xaa: {  	s25 =	simm.s32 $0x1B8E;
	s24 =	sld [smem:$0x3FFE];
	[sflag:s23] =	ssyncadd.s32 $0xFFFFFFFF  }
0xab: {  	s26 =	simm.s32 $execute0_lowered;
	[smem:$0x3FD2] =	sst s25  }
0xac: {  	s6 =	sshll.u32 s26, $0x1;
	_ =	strace $0x80000049;
	[dreg:$0x1] =	wrdreg $0xFFFFFFFF  }
0xad: {  	s28 =	simm.s32 $_size_execute0_lowered;
	s4 =	sadd.s32 s4, s6;
	[dreg:$0x0] =	wrdreg $0x0  }
0xae: {  	s6 =	sshll.u32 s28, $0x1;
	[dreg:$0x2] =	wrdreg s4  }
0xaf: {  	[dreg:$0x3] =	wrdreg s6  }
0xb0: {  	[dreg:$0x4] =	wrdreg $0xC0  }
0xb1: {  	_ =	task [dreg:s8], $0x5FFFF  }
0xb2: {  	[dreg:$0x1] =	wrdreg $0xFFFFFFFF  }
0xb3: {  	[dreg:$0x0] =	wrdreg $0x60  }
0xb4: {  	[dreg:$0x2] =	wrdreg s24  }
0xb5: {  	[dreg:$0x3] =	wrdreg s16  }
0xb6: {  	[dreg:$0x4] =	wrdreg s17  }
0xb7: {  	[dreg:$0x5] =	wrdreg $0x155000  }
0xb8: {  	[dreg:$0x6] =	wrdreg $0x9  }
0xb9: {  	_ =	task.clear_ibuf [dreg:s8], $0x7FFFF;
	_ =	strace $0x90000049  }
0xba: {  	s29 =	simm.s32 $0x9;
	_ =	strace $0x8000004B  }
0xbb: {  	_ =	swait.ge [sflag:s29], $0x1  }
0xbc: {  	[sflag:s29] =	ssyncadd.s32 $0xFFFFFFFF  }
0xbd: {  	_ =	strace $0x9000004B  }
0xbe: {  	_ =	sfence  }
0xbf: {  	s30 =	sld [smem:$0x0];
	_ =	sdelay $0x2  }
0xc0: {  	s31 =	sshll.u32 s1, $0xD;
	s1 =	sshrl.u32 s1, $0x2  }
0xc1: {  	s3 =	sand.u32 $0x4000, s31;
	s1 =	sadd.s32 s1, s30  }
0xc2: {  	s0 =	sor.u32 s3, s0;
	s1 =	sshll.u32 s1, $0x11  }
0xc3: {  	s0 =	sor.u32 s1, s0  }
0xc4: {  	s0 =	sadd.s32 $0x8F2B, s0  }
0xc5: {  	[sflag:s0] =	ssyncadd.remote.s32 $0x1  }
0xc6: {  	_ =	sfence.sel $0xFFFF  }
0xc7: {  	[dreg:$0x0] =	wrdreg $0xFFFFFFFF;
	(pc) =	sbr.abs _section_cstart, $3  }
0xc8: {  	[dreg:$0x1] =	wrdreg $0xFFFFFFFF  }
0xc9: {  	_ =	task.clear_ibuf [dreg:s8], $0x2FFFF;
	_ =	strace $0x9FFFFFFF  }
0xca: {  	(tm) =	ssettm $0x7FFFFFFF  }
0xcb: {  	_ =	shalt  }
tec
execute0_lowered:
.L_overlay_start_1:
0x0: {  	(tag) =	ssettag $0x1  }
0x1: {  	s5 =	rddreg [dreg:$0x0]  }
0x2: {  	s6 =	rddreg [dreg:$0x1]  }
0x3: {  	s1 =	rddreg [dreg:$0x2]  }
0x4: {  	s3 =	rddreg [dreg:$0x3];
	s2 =	stileid.u32  }
0x5: {  	s0 =	rddreg [dreg:$0x4];
	s7 =	smul.u32 $0x9C4, s2  }
0x6: {  	s8 =	srdreg.scid;
	s11 =	smul.u32 $0x28000, s2  }
0x7: {  	s4 =	simm.s32 $0x0;
	s8 =	sand.u32 $0x1, s8;
	s12 =	smul.u32 $0xA000, s2  }
0x8: {  	s20 =	simm.s32 $0xED00;
	s21 =	simm.s32 $0x0;
	s13 =	smul.u32 $0x1388, s8  }
0x9: {  	[smem:$0x7FF] =	sst s4;
	s15 =	sadd.s32 $0xB400, s5;
	s14 =	smul.u32 $0xA0000, s8  }
0xa: {  	_ =	strace $0x8000004A;
	s10 =	ssub.s32 $0x2, s8;
	s19 =	smul.u32 $0xFFFFEC78, s8  }
0xb: {  	s9 =	sadd.s32 s7, s5;
	s24 =	sshrl.u32 s10, $0x1;
	s6 =	sadd.s32 s6, s7  }
0xc: {  	s25 =	sshrl.u32 s11, $0x2;
	s16 =	sadd.s32 $0x2800, s12;
	s17 =	sadd.s32 $0x5000, s12  }
0xd: {  	s18 =	sadd.s32 $0x7800, s12;
	s10 =	ssub.s32 s10, s24;
	s5 =	sadd.s32 $0x1600, s9  }
0xe: {  	s7 =	sadd.s32 s25, s3;
	s9 =	sadd.s32 s16, s3;
	s26 =	sadd.s32 s14, s12  }
0xf: {  	s11 =	sadd.s32 s18, s3;
	s16 =	sadd.s32 s14, s16;
	v1 =	vmov s19;
	s19 =	simm.s32 $0x80  }
0x10: {  	s8 =	smax.u32 s10, $0x1;
	s28 =	sshrl.u32 s26, $0x3;
	s10 =	sadd.s32 s17, s3  }
0x11: {  	s17 =	sadd.s32 s14, s17;
	s14 =	sadd.s32 s14, s18;
	s29 =	sshrl.u32 s16, $0x3  }
0x12: {  	v0 =	vmov s13;
	s16 =	simm.s32 $0x12D00;
	s18 =	simm.s32 $0x4E80;
	s12 =	sadd.s32 s15, s28  }
0x13: {  	v0 =	vadd.s32 $0x1388, v0;
	s30 =	sshrl.u32 s17, $0x3;
	s31 =	sshrl.u32 s14, $0x3;
	s13 =	sadd.s32 s15, s29  }
0x14: {  	v2 =	vimm.f32 $0.0e+00;
	v3 =	vimm.s32 $0x0;
	v0 =	vbroadcast v0, $0x0;
	s17 =	simm.s32 $0x1;
	s14 =	sadd.s32 s15, s30;
	s15 =	sadd.s32 s15, s31  }
.LBB2_1:
0x15: {  	s22 =	simm.s32 $0x70;
	s23 =	simm.s32 $0x3C0  }
.LBB2_2:
0x16: {  	p0 =	sne.s32 s23, $0x9FC0;
	[tilespmem:s22+$0x12D00] =	vst v2  }
0x17: {  	[tilespmem:s22+$0x12C90] =	vst v2  }
0x18: {  	[tilespmem:s22+$0x12CA0] =	vst v2  }
.Ltmp0:
0x19: {  	[tilespmem:s22+$0x12CB0] =	vst v2;
	(pc) =	sbr.rel @p0 .LBB2_2-.Ltmp0, $4  }
0x1a: {  	[tilespmem:s22+$0x12CC0] =	vst v2  }
0x1b: {  	[tilespmem:s22+$0x12CD0] =	vst v2  }
0x1c: {  	[tilespmem:s22+$0x12CE0] =	vst v2  }
0x1d: {  	[tilespmem:s22+$0x12CF0] =	vst v2;
	s22 =	sshra.s32 s23, $0x2;
	s23 =	sadd.s32 $0x200, s23  }
0x1e: {  	[tilespmem:s22+$0x12D00] =	vst v2  }
0x1f: {  	[tilespmem:s22+$0x12C90] =	vst v2  }
0x20: {  	[tilespmem:s22+$0x12CA0] =	vst v2  }
0x21: {  	[tilespmem:s22+$0x12CB0] =	vst v2  }
0x22: {  	[tilespmem:s22+$0x12CC0] =	vst v2  }
0x23: {  	[tilespmem:s22+$0x12CD0] =	vst v2  }
0x24: {  	[tilespmem:s22+$0x12CE0] =	vst v2  }
0x25: {  	[tilespmem:s22+$0x12CF0] =	vst v2  }
0x26: {  	[spmem:s7] =	stream.linear.scatter [tilespmem:s16], [sflag:$0x1], $0x2800, $0x38;
	[tilespmem:$0x1F500] =	vst v63  }
0x27: {  	_ =	swait.ge [sflag:s17], $0x2800  }
0x28: {  	[sflag:s17] =	ssyncset.done $0x0  }
0x29: {  	[sflag:s17] =	ssyncadd.s32 $0xFFFFD800  }
0x2a: {  	[spmem:s9] =	stream.linear.scatter [tilespmem:s16], [sflag:$0x1], $0x2800, $0x38;
	[tilespmem:$0x1F500] =	vst v63  }
0x2b: {  	_ =	swait.ge [sflag:s17], $0x2800  }
0x2c: {  	[sflag:s17] =	ssyncset.done $0x0  }
0x2d: {  	[sflag:s17] =	ssyncadd.s32 $0xFFFFD800  }
0x2e: {  	[spmem:s10] =	stream.linear.scatter [tilespmem:s16], [sflag:$0x1], $0x2800, $0x38;
	[tilespmem:$0x1F500] =	vst v63  }
0x2f: {  	_ =	swait.ge [sflag:s17], $0x2800  }
0x30: {  	[sflag:s17] =	ssyncset.done $0x0  }
0x31: {  	[sflag:s17] =	ssyncadd.s32 $0xFFFFD800  }
0x32: {  	[spmem:s11] =	stream.linear.scatter [tilespmem:s16], [sflag:$0x1], $0x2800, $0x38;
	[tilespmem:$0x1F500] =	vst v63  }
0x33: {  	_ =	swait.ge [sflag:s17], $0x2800  }
0x34: {  	[sflag:s17] =	ssyncset.done $0x0  }
0x35: {  	[sflag:s17] =	ssyncadd.s32 $0xFFFFD800  }
0x36: {  	[bflag:$0x0] =	sbarrier.arrive $0xFFFF  }
0x37: {  	[tilespmem:$0x4E20] =	vst v3  }
0x38: {  	[tilespmem:$0x9CA0] =	vst v0  }
0x39: {  	[tilespmem:$0x4E30] =	vst v3  }
0x3a: {  	[tilespmem:$0x9CB0] =	vst v0  }
0x3b: {  	[tilespmem:$0x4E40] =	vst v3  }
0x3c: {  	[tilespmem:$0x9CC0] =	vst v0  }
0x3d: {  	[tilespmem:$0x4E50] =	vst v3  }
0x3e: {  	[tilespmem:$0x9CD0] =	vst v0  }
0x3f: {  	[tilespmem:$0x4E60] =	vst v3  }
0x40: {  	[tilespmem:$0x9CE0] =	vst v0  }
0x41: {  	[tilespmem:$0x4E70] =	vst v3  }
0x42: {  	s31 =	simm.s32 $0x0;
	[tilespmem:$0x9CF0] =	vst v0  }
0x43: {  	[tilespmem:s31], [sflag:$0x1] =	stream.linear.gather [hbm4b:s5+s31], $0x4E20, $0x38;
	[tilespmem:$0x1F500] =	vst v63  }
0x44: {  	_ =	swait.ge [sflag:s17], $0x4E20  }
0x45: {  	[sflag:s17] =	ssyncset.done $0x0  }
0x46: {  	[sflag:s17] =	ssyncadd.s32 $0xFFFFB1E0  }
0x47: {  	[tilespmem:s18], [sflag:$0x1] =	stream.linear.gather [hbm4b:s6+s31], $0x4E20, $0x38;
	[tilespmem:$0x1F500] =	vst v63  }
0x48: {  	_ =	swait.ge [sflag:s17], $0x4E20  }
0x49: {  	[sflag:s17] =	ssyncset.done $0x0  }
0x4a: {  	s23 =	simm.s32 $0x0;
	[sflag:s17] =	ssyncadd.s32 $0xFFFFB1E0  }
0x4b: {  	v4 =	vld [tilespmem:s23+$0x4EF0]  }
0x4c: {  	v5 =	vld [tilespmem:s23+$0x4E80]  }
0x4d: {  	v7 =	vld [tilespmem:s23+$0x4E90]  }
0x4e: {  	v8 =	vld [tilespmem:s23+$0x4EA0]  }
0x4f: {  	v10 =	vld [tilespmem:s23+$0x4EC0]  }
0x50: {  	v13 =	vld [tilespmem:s23+$0x4ED0]  }
0x51: {  	v9 =	vld [tilespmem:s23+$0x4EB0]  }
0x52: {  	v11 =	vadd.s32 v1, v4;
	v6 =	vand.u32 $0x3F, v4  }
0x53: {  	v4 =	vadd.s32 v1, v5;
	v14 =	vand.u32 $0x3F, v5;
	v16 =	vand.u32 $0x3F, v7  }
0x54: {  	v17 =	vld [tilespmem:s23+$0x4EE0];
	v5 =	vadd.s32 v1, v8;
	v19 =	vand.u32 $0x3F, v8;
	v8 =	vadd.s32 v1, v10  }
0x55: {  	v15 =	vand.u32 $0x3F, v13;
	vm0 =	vlt.u32 v11, $0x1388;
	v12 =	vadd.s32 $0x1388, v6  }
0x56: {  	v6 =	vadd.s32 v1, v7;
	v7 =	vadd.s32 v1, v9;
	v16 =	vadd.s32 $0x1388, v16  }
0x57: {  	vm2 =	vlt.u32 v5, $0x1388;
	v18 =	vsel vm0, v11, v12;
	vm0 =	vlt.u32 v4, $0x1388  }
0x58: {  	v12 =	vand.u32 $0x3F, v9;
	v11 =	vadd.s32 $0x1388, v14;
	v14 =	vand.u32 $0x3F, v10  }
0x59: {  	vm1 =	vlt.u32 v6, $0x1388;
	v9 =	vadd.s32 v1, v13;
	v10 =	vadd.s32 v1, v17  }
0x5a: {  	s22 =	simm.s32 $0x200;
	s24 =	simm.s32 $0x80;
	s25 =	simm.s32 $0x400;
	v13 =	vand.u32 $0x3F, v17;
	v17 =	vadd.s32 $0x1388, v19;
	vm3 =	vlt.u32 v7, $0x1388;
	[tilespmem:s23+$0x9D70] =	vst v18  }
.LBB2_4:
0x5b: {  	p0 =	sne.s32 s25, $0x13800;
	v18 =	vld [tilespmem:s24+$0x4EF0];
	v12 =	vadd.s32 $0x1388, v12;
	vm4 =	vlt.u32 v8, $0x1388;
	v14 =	vadd.s32 $0x1388, v14  }
0x5c: {  	vm5 =	vlt.u32 v9, $0x1388;
	v15 =	vadd.s32 $0x1388, v15;
	vm6 =	vlt.u32 v10, $0x1388;
	v19 =	vld [tilespmem:s24+$0x4E80]  }
0x5d: {  	v4 =	vsel vm0, v4, v11;
	v6 =	vsel vm1, v6, v16;
	v11 =	vadd.s32 $0x1388, v13;
	v20 =	vld [tilespmem:s24+$0x4E90]  }
0x5e: {  	v13 =	vld [tilespmem:s24+$0x4EA0];
	[tilespmem:s23+$0x9D00] =	vst v4;
	v4 =	vsel vm2, v5, v17;
	v5 =	vsel vm3, v7, v12;
	v7 =	vsel vm4, v8, v14  }
0x5f: {  	v9 =	vsel vm5, v9, v15;
	v10 =	vsel vm6, v10, v11;
	v8 =	vld [tilespmem:s24+$0x4EB0];
	[tilespmem:s23+$0x9D10] =	vst v6  }
0x60: {  	v14 =	vld [tilespmem:s24+$0x4EC0];
	v11 =	vadd.s32 v1, v18;
	v6 =	vand.u32 $0x3F, v18;
	[tilespmem:s23+$0x9D20] =	vst v4  }
0x61: {  	v4 =	vadd.s32 v1, v19;
	v15 =	vld [tilespmem:s24+$0x4ED0];
	vm0 =	vlt.u32 v11, $0x1388;
	v12 =	vadd.s32 $0x1388, v6;
	[tilespmem:s23+$0x9D30] =	vst v5  }
0x62: {  	v16 =	vand.u32 $0x3F, v19;
	v6 =	vadd.s32 v1, v20;
	v17 =	vld [tilespmem:s24+$0x4EE0];
	v11 =	vsel vm0, v11, v12;
	[tilespmem:s23+$0x9D40] =	vst v7  }
0x63: {  	v18 =	vand.u32 $0x3F, v20;
	v5 =	vadd.s32 v1, v13;
	v19 =	vand.u32 $0x3F, v13;
	[tilespmem:s24+$0x9D70] =	vst v11  }
.Ltmp1:
0x64: {  	vm0 =	vlt.u32 v4, $0x1388;
	v7 =	vadd.s32 v1, v8;
	v12 =	vand.u32 $0x3F, v8;
	[tilespmem:s23+$0x9D50] =	vst v9;
	(pc) =	sbr.rel @p0 .LBB2_4-.Ltmp1, $4  }
0x65: {  	v11 =	vadd.s32 $0x1388, v16;
	v8 =	vadd.s32 v1, v14;
	v14 =	vand.u32 $0x3F, v14;
	[tilespmem:s23+$0x9D60] =	vst v10;
	s23 =	smov.u32 s24  }
0x66: {  	vm1 =	vlt.u32 v6, $0x1388;
	v9 =	vadd.s32 v1, v15;
	v15 =	vand.u32 $0x3F, v15  }
0x67: {  	v16 =	vadd.s32 $0x1388, v18;
	v10 =	vadd.s32 v1, v17;
	v13 =	vand.u32 $0x3F, v17  }
0x68: {  	vm2 =	vlt.u32 v5, $0x1388;
	s24 =	sshra.s32 s25, $0x2;
	s25 =	sadd.s32 $0x200, s25;
	vm3 =	vlt.u32 v7, $0x1388;
	v17 =	vadd.s32 $0x1388, v19  }
0x69: {  	v18 =	vld [tilespmem:s24+$0x4EF0]  }
0x6a: {  	v19 =	vld [tilespmem:s24+$0x4E80];
	v4 =	vsel vm0, v4, v11;
	v12 =	vadd.s32 $0x1388, v12  }
0x6b: {  	v20 =	vld [tilespmem:s24+$0x4E90];
	vm14 =	vlt.u32 v8, $0x1388;
	v6 =	vsel vm1, v6, v16;
	vm15 =	vlt.u32 v9, $0x1388  }
0x6c: {  	v45 =	vld [tilespmem:s24+$0x4EA0];
	v15 =	vadd.s32 $0x1388, v15;
	vm4 =	vlt.u32 v10, $0x1388;
	v47 =	vadd.s32 $0x1388, v13  }
0x6d: {  	v5 =	vsel vm2, v5, v17;
	[tilespmem:s23+$0x9D00] =	vst v4;
	v4 =	vadd.s32 $0x1388, v14;
	v7 =	vsel vm3, v7, v12  }
0x6e: {  	v49 =	vsel vm15, v9, v15;
	v46 =	vld [tilespmem:s24+$0x4EB0];
	[tilespmem:s23+$0x9D10] =	vst v6;
	v4 =	vsel vm14, v8, v4;
	v6 =	vsel vm4, v10, v47  }
0x6f: {  	v48 =	vld [tilespmem:s24+$0x4EC0];
	[tilespmem:s23+$0x9D20] =	vst v5;
	v5 =	vadd.s32 v1, v18;
	v50 =	vand.u32 $0x3F, v18;
	v51 =	vadd.s32 v1, v19  }
0x70: {  	v53 =	vand.u32 $0x3F, v19;
	v54 =	vadd.s32 v1, v20;
	v56 =	vand.u32 $0x3F, v20  }
0x71: {  	v57 =	vadd.s32 v1, v45;
	v11 =	vand.u32 $0x3F, v45;
	vm8 =	vlt.u32 v5, $0x1388  }
0x72: {  	v52 =	vld [tilespmem:s24+$0x4ED0];
	[tilespmem:s23+$0x9D30] =	vst v7;
	v9 =	vadd.s32 $0x1388, v50;
	vm9 =	vlt.u32 v51, $0x1388;
	v7 =	vadd.s32 $0x1388, v53  }
0x73: {  	v55 =	vld [tilespmem:s24+$0x4EE0];
	[tilespmem:s23+$0x9D40] =	vst v4;
	vm10 =	vlt.u32 v54, $0x1388;
	vm11 =	vlt.u32 v57, $0x1388;
	v5 =	vsel vm8, v5, v9  }
0x74: {  	v60 =	vadd.s32 $0x1388, v11;
	v4 =	vadd.s32 v1, v46;
	v14 =	vand.u32 $0x3F, v46;
	[tilespmem:s24+$0x9D70] =	vst v5  }
0x75: {  	v9 =	vadd.s32 $0x1388, v56;
	v7 =	vsel vm9, v51, v7;
	v10 =	vsel vm11, v57, v60;
	[tilespmem:s23+$0x9D50] =	vst v49  }
0x76: {  	v5 =	vadd.s32 v1, v48;
	v12 =	vand.u32 $0x3F, v48;
	v9 =	vsel vm10, v54, v9;
	[tilespmem:s23+$0x9D60] =	vst v6  }
0x77: {  	vm12 =	vlt.u32 v4, $0x1388;
	v61 =	vadd.s32 $0x1388, v14;
	v58 =	vadd.s32 v1, v52;
	[tilespmem:s24+$0x9D00] =	vst v7  }
0x78: {  	v13 =	vand.u32 $0x3F, v52;
	vm13 =	vlt.u32 v5, $0x1388;
	v62 =	vadd.s32 $0x1388, v12;
	[tilespmem:s24+$0x9D10] =	vst v9  }
0x79: {  	v4 =	vsel vm12, v4, v61;
	v59 =	vadd.s32 v1, v55;
	v16 =	vand.u32 $0x3F, v55;
	[tilespmem:s24+$0x9D20] =	vst v10  }
0x7a: {  	vm14 =	vlt.u32 v58, $0x1388;
	v63 =	vadd.s32 $0x1388, v13;
	v5 =	vsel vm13, v5, v62;
	[tilespmem:s24+$0x9D30] =	vst v4  }
0x7b: {  	vm15 =	vlt.u32 v59, $0x1388;
	v4 =	vadd.s32 $0x1388, v16;
	v7 =	vsel vm14, v58, v63;
	[tilespmem:s24+$0x9D40] =	vst v5  }
0x7c: {  	v4 =	vsel vm15, v59, v4;
	[tilespmem:s24+$0x9D50] =	vst v7  }
0x7d: {  	s30 =	simm.s32 $0x0;
	[tilespmem:s24+$0x9D60] =	vst v4  }
0x7e: {  	[tilespmem:s20], [sflag:$0x1] =	stream.indirect.gather [hbm4b:s1+s19], $0x80, s30, s19, $0xb8;
	[tilespmem:$0x1F500] =	vst v63  }
0x7f: {  	_ =	swait.ge [sflag:s17], $0x4000  }
0x80: {  	[sflag:s17] =	ssyncset.done $0x0  }
0x81: {  	s31 =	simm.s32 $0x9D00;
	[sflag:s17] =	ssyncadd.s32 $0xFFFFC000  }
0x82: {  	[spmem:s3] =	stream.indirect.scatter.add.f32 [tilespmem:s20], [sflag:$0x1], $0x80, s31, s19, $0xb8;
	[tilespmem:$0x1F500] =	vst v63  }
0x83: {  	_ =	swait.ge [sflag:s17], $0x4000  }
0x84: {  	s23 =	simm.s32 $0x400;
	[sflag:s17] =	ssyncset.done $0x0  }
.LBB2_6:
0x85: {  	s24 =	sshra.s32 s22, $0x2  }
0x86: {  	[sflag:s17] =	ssyncadd.s32 $0xFFFFC000;
	s22 =	smov.u32 s23;
	s25 =	sadd.s32 $0x200, s23  }
0x87: {  	[tilespmem:s20], [sflag:$0x1] =	stream.indirect.gather [hbm4b:s1+s19], $0x80, s24, s19, $0xb8;
	[tilespmem:$0x1F500] =	vst v63  }
0x88: {  	p0 =	sne.s32 s23, $0x13800;
	_ =	swait.ge [sflag:s17], $0x4000  }
.Ltmp2:
0x89: {  	[sflag:s17] =	ssyncset.done $0x0;
	(pc) =	sbr.rel @p0 .LBB2_6-.Ltmp2, $4  }
0x8a: {  	s23 =	sadd.s32 $0x9D00, s24;
	[sflag:s17] =	ssyncadd.s32 $0xFFFFC000  }
0x8b: {  	[spmem:s3] =	stream.indirect.scatter.add.f32 [tilespmem:s20], [sflag:$0x1], $0x80, s23, s19, $0xb8;
	[tilespmem:$0x1F500] =	vst v63  }
0x8c: {  	_ =	swait.ge [sflag:s17], $0x4000  }
0x8d: {  	s23 =	smov.u32 s25;
	[sflag:s17] =	ssyncset.done $0x0  }
0x8e: {  	s22 =	sshra.s32 s22, $0x2;
	[sflag:s17] =	ssyncadd.s32 $0xFFFFC000  }
0x8f: {  	[tilespmem:s20], [sflag:$0x1] =	stream.indirect.gather [hbm4b:s1+s19], $0x80, s22, s19, $0xb8;
	[tilespmem:$0x1F500] =	vst v63  }
0x90: {  	_ =	swait.ge [sflag:s17], $0x4000  }
0x91: {  	[sflag:s17] =	ssyncset.done $0x0  }
0x92: {  	s22 =	sadd.s32 $0x9D00, s22;
	[sflag:s17] =	ssyncadd.s32 $0xFFFFC000  }
0x93: {  	[spmem:s3] =	stream.indirect.scatter.add.f32 [tilespmem:s20], [sflag:$0x1], $0x80, s22, s19, $0xb8;
	[tilespmem:$0x1F500] =	vst v63  }
0x94: {  	_ =	swait.ge [sflag:s17], $0x4000  }
0x95: {  	[sflag:s17] =	ssyncset.done $0x0  }
0x96: {  	[sflag:s17] =	ssyncadd.s32 $0xFFFFC000  }
0x97: {  	[bflag:$0x0] =	sbarrier.arrive $0xFFFF  }
0x98: {  	[tilespmem:s16], [sflag:$0x1] =	stream.linear.gather [spmem:s7], $0x2800, $0x38;
	[tilespmem:$0x1F500] =	vst v63  }
0x99: {  	_ =	swait.ge [sflag:s17], $0x2800  }
0x9a: {  	[sflag:s17] =	ssyncset.done $0x0  }
0x9b: {  	[sflag:s17] =	ssyncadd.s32 $0xFFFFD800  }
0x9c: {  	[hbm4b:s12+s4] =	stream.linear.scatter [tilespmem:s16], [sflag:$0x1], $0x2800, $0x38;
	[tilespmem:$0x1F500] =	vst v63  }
0x9d: {  	_ =	swait.ge [sflag:s17], $0x2800  }
0x9e: {  	[sflag:s17] =	ssyncset.done $0x0  }
0x9f: {  	[sflag:s17] =	ssyncadd.s32 $0xFFFFD800  }
0xa0: {  	[tilespmem:s16], [sflag:$0x1] =	stream.linear.gather [spmem:s9], $0x2800, $0x38;
	[tilespmem:$0x1F500] =	vst v63  }
0xa1: {  	_ =	swait.ge [sflag:s17], $0x2800  }
0xa2: {  	[sflag:s17] =	ssyncset.done $0x0  }
0xa3: {  	[sflag:s17] =	ssyncadd.s32 $0xFFFFD800  }
0xa4: {  	[hbm4b:s13+s4] =	stream.linear.scatter [tilespmem:s16], [sflag:$0x1], $0x2800, $0x38;
	[tilespmem:$0x1F500] =	vst v63  }
0xa5: {  	_ =	swait.ge [sflag:s17], $0x2800  }
0xa6: {  	[sflag:s17] =	ssyncset.done $0x0  }
0xa7: {  	[sflag:s17] =	ssyncadd.s32 $0xFFFFD800  }
0xa8: {  	[tilespmem:s16], [sflag:$0x1] =	stream.linear.gather [spmem:s10], $0x2800, $0x38;
	[tilespmem:$0x1F500] =	vst v63  }
0xa9: {  	_ =	swait.ge [sflag:s17], $0x2800  }
0xaa: {  	[sflag:s17] =	ssyncset.done $0x0  }
0xab: {  	[sflag:s17] =	ssyncadd.s32 $0xFFFFD800  }
0xac: {  	[hbm4b:s14+s4] =	stream.linear.scatter [tilespmem:s16], [sflag:$0x1], $0x2800, $0x38;
	[tilespmem:$0x1F500] =	vst v63  }
0xad: {  	_ =	swait.ge [sflag:s17], $0x2800  }
0xae: {  	[sflag:s17] =	ssyncset.done $0x0  }
0xaf: {  	[sflag:s17] =	ssyncadd.s32 $0xFFFFD800  }
0xb0: {  	[tilespmem:s16], [sflag:$0x1] =	stream.linear.gather [spmem:s11], $0x2800, $0x38;
	[tilespmem:$0x1F500] =	vst v63  }
0xb1: {  	s21 =	sadd.s32 $0x1, s21;
	_ =	swait.ge [sflag:s17], $0x2800  }
0xb2: {  	p0 =	sne.s32 s21, s8;
	[sflag:s17] =	ssyncset.done $0x0  }
.Ltmp3:
0xb3: {  	[sflag:s17] =	ssyncadd.s32 $0xFFFFD800;
	(pc) =	sbr.rel @p0 .LBB2_1-.Ltmp3, $4  }
0xb4: {  	[hbm4b:s15+s4] =	stream.linear.scatter [tilespmem:s16], [sflag:$0x1], $0x2800, $0x38;
	[tilespmem:$0x1F500] =	vst v63  }
0xb5: {  	_ =	swait.ge [sflag:s17], $0x2800  }
0xb6: {  	[sflag:s17] =	ssyncset.done $0x0  }
0xb7: {  	[sflag:s17] =	ssyncadd.s32 $0xFFFFD800  }
0xb8: {  	_ =	sfence.sel $0x180000  }
0xb9: {  	[bflag:$0x0] =	sbarrier.arrive $0xFFFF  }
0xba: {  	p0 =	sne.s32 s2, $0x0;
	_ =	strace $0x9000004A  }
0xbb: {  	s0 =	sadd.s32 @!p0 $0x100000, s0;
	[bflag:$0x2] =	sbarrier.arrive $0xFFFF  }
0xbc: {  	[sflag:s0] =	ssyncadd.tile.s32 @!p0 $0x1;
	_ =	shalt  }
.Lfunc_end2:
_tile_overlayer_lowered:
.L_overlay_start_2:
0xbd: {  	(tag) =	ssettag $0x2  }
0xbe: {  	s0 =	rddreg [dreg:$0x0];
	s2 =	stileid.u32  }
0xbf: {  	s1 =	rddreg [dreg:$0x1];
	p0 =	sne.s32 s2, $0x0  }
0xc0: {  	s3 =	rddreg [dreg:$0x2];
	[bflag:$0x3] =	sbarrier.arrive $0xFFFF;
	s2 =	simm.s32 @!p0 $0x1C01  }
0xc1: {  	[timem:s3], [sflag:s2] =	dma.local @!p0 [hbm:s0], s1  }
0xc2: {  	s0 =	simm.s32 @!p0 $0x1  }
0xc3: {  	_ =	swait.ge @!p0 [sflag:s0], s1  }
0xc4: {  	s1 =	ssub.s32 @!p0 $0x0, s1;
	[sflag:s0] =	ssyncset.done @!p0 $0x0  }
0xc5: {  	[sflag:s0] =	ssyncadd.s32 @!p0 s1  }
0xc6: {  	[bflag:$0x3] =	sbarrier.arrive $0xFFFF  }
0xc7: {  	_ =	shalt  }

</sc_bundles>
